<compile_context>
chip_gen: v7x
topology: tpu7x:2x2x1
jax: 0.10.2.dev20260603
libtpu: 0.0.44.dev20260713+nightly
codegen_flags: <defaults>
</compile_context>

<pallas_src>
import jax
import jax.numpy as jnp
from jax.experimental import pallas as pl
from jax.experimental.pallas import tpu as pltpu

DIM = 128
M = 0.999
NUM_CLASSES = 1000
BUF = 16
DMLP = 2048
B = 128
NCP = 1024
F32 = jnp.float32


BB1 = 4


def _img_reduce_body(im_ref, r_ref, c_ref, o_ref):
    rm = r_ref[...]
    cm = c_ref[...]
    xb = im_ref[...].reshape(BB1 * 672, 224).astype(jnp.bfloat16)
    z = jnp.dot(rm, xb, preferred_element_type=F32)
    w = jnp.dot(z, cm, preferred_element_type=F32,
                precision=jax.lax.Precision.HIGHEST)
    o_ref[...] = (w * (1.0 / 196.0)).reshape(BB1, 48, 16)


def _img_reduce_one(im3, rsel, csel):
    return pl.pallas_call(
        _img_reduce_body,
        grid=(B // BB1,),
        in_specs=[
            pl.BlockSpec((BB1, 672, 224), lambda b: (b, 0, 0)),
            pl.BlockSpec((48 * BB1, 672 * BB1), lambda b: (0, 0)),
            pl.BlockSpec((224, 16), lambda b: (0, 0)),
        ],
        out_specs=pl.BlockSpec((BB1, 48, 16), lambda b: (b, 0, 0)),
        out_shape=jax.ShapeDtypeStruct((B, 48, 16), F32),
    )(im3, rsel, csel)


def _img_reduce(imq, imk):
    ii = jax.lax.broadcasted_iota(jnp.int32, (48 * BB1, 672 * BB1), 0)
    jj = jax.lax.broadcasted_iota(jnp.int32, (48 * BB1, 672 * BB1), 1)
    rsel = ((ii // 48 == jj // 672) & ((ii % 48) // 16 == (jj % 672) // 224)
            & (ii % 16 == jj % 16)).astype(jnp.bfloat16)
    cj = jax.lax.broadcasted_iota(jnp.int32, (224, 16), 0)
    ck = jax.lax.broadcasted_iota(jnp.int32, (224, 16), 1)
    csel = (cj % 16 == ck).astype(F32)

    oq = _img_reduce_one(imq.reshape(B, 672, 224), rsel, csel)
    ok = _img_reduce_one(imk.reshape(B, 672, 224), rsel, csel)
    return oq.reshape(B, 768), ok.reshape(B, 768)


def _proj_q_body(mq_ref, wpq_ref, fq_ref):
    hi = jax.lax.Precision.HIGHEST
    wpqb = wpq_ref[...].astype(jnp.bfloat16).astype(F32)
    fq_ref[...] = jnp.maximum(
        jnp.dot(mq_ref[...], wpqb, preferred_element_type=F32, precision=hi), 0.0)


def _proj_k_body(mk_ref, wpq_ref, wpk_ref, fk_ref):
    hi = jax.lax.Precision.HIGHEST
    wpkb = (M * wpk_ref[...] + (1.0 - M) * wpq_ref[...]).astype(jnp.bfloat16).astype(F32)
    fk_ref[...] = jnp.maximum(
        jnp.dot(mk_ref[...], wpkb, preferred_element_type=F32, precision=hi), 0.0)


def _proj_q(mq, wpq):
    return pl.pallas_call(
        _proj_q_body,
        out_shape=jax.ShapeDtypeStruct((B, DMLP), F32),
    )(mq, wpq)


def _proj_k(mk, wpq, wpk):
    return pl.pallas_call(
        _proj_k_body,
        out_shape=jax.ShapeDtypeStruct((B, DMLP), F32),
    )(mk, wpq, wpk)


def _logits_body(fq_ref, wlin_ref, blin_ref, tgt_ref, ep_ref, idx_ref, ptr_ref,
                 conf_ref, logits_ref, pred_ref, prob_ref, rw_ref, rr_ref,
                 live_ref, win_ref, ptrn_ref, cg_ref, cn_ref):
    fqb = fq_ref[...].astype(jnp.bfloat16)
    wlb = wlin_ref[...].astype(jnp.bfloat16)
    lg = jnp.dot(fqb, wlb, preferred_element_type=F32) + blin_ref[...]
    logits_ref[...] = lg

    mx = jnp.max(lg, axis=1, keepdims=True)
    li = jax.lax.broadcasted_iota(jnp.int32, (B, NUM_CLASSES), 1)
    am = jnp.min(jnp.where(lg >= mx, li, NUM_CLASSES), axis=1)
    ep = ep_ref[0]
    tgt = tgt_ref[0]
    pred = jnp.where(ep < 0, tgt, am)
    pred_ref[0] = pred

    sig = 1.0 / (1.0 + jnp.exp(-lg))
    cls_iota = jax.lax.broadcasted_iota(jnp.int32, (B, NCP), 1)
    oh = (cls_iota == pred[:, None]).astype(F32)
    prob = jnp.sum(sig * oh[:, :NUM_CLASSES], axis=1)
    prob_ref[0] = prob

    ptrf = ptr_ref[...].astype(F32)
    ptrg = jnp.sum(oh * ptrf, axis=1)

    ii = jax.lax.broadcasted_iota(jnp.int32, (B, B), 0)
    jj = jax.lax.broadcasted_iota(jnp.int32, (B, B), 1)
    eq = pred[:, None] == pred[None, :]
    rank = jnp.sum(jnp.where(eq & (jj < ii), 1.0, 0.0), axis=1)
    pos = ptrg + rank
    pos = pos - 16.0 * jnp.floor(pos * (1.0 / 16.0))
    posi = pos.astype(jnp.int32)
    rows_w = pred * BUF + posi
    rw_ref[0] = rows_w
    idxv = idx_ref[0]
    rr_ref[0] = pred * BUF + idxv

    eqr = rows_w[:, None] == rows_w[None, :]
    dead = jnp.sum(jnp.where(eqr & (jj > ii), 1.0, 0.0), axis=1)
    live = (dead < 0.5)
    live_ref[0] = live.astype(jnp.int32)
    win_ref[0] = jnp.max(jnp.where(eqr, jj, -1), axis=1)

    counts = jnp.sum(oh, axis=0)
    pn = ptrf[0] + counts
    pn = pn - 16.0 * jnp.floor(pn * (1.0 / 16.0))
    ptrn_ref[...] = pn[None, :].astype(jnp.int32)

    confp = conf_ref[...]
    cg_rows = jnp.dot(oh, confp, preferred_element_type=F32, precision=jax.lax.Precision.HIGHEST)
    oh_idx = (jax.lax.broadcasted_iota(jnp.int32, (B, BUF), 1) == idxv[:, None]).astype(F32)
    cg_ref[0] = jnp.sum(cg_rows * oh_idx, axis=1)

    ohT = (jax.lax.broadcasted_iota(jnp.int32, (NCP, B), 0) == pred[None, :]).astype(F32)
    oh_pos = (jax.lax.broadcasted_iota(jnp.int32, (B, BUF), 1) == posi[:, None]).astype(F32)
    lf = live.astype(F32)
    vals = jnp.dot(ohT, oh_pos * (lf * prob)[:, None], preferred_element_type=F32, precision=jax.lax.Precision.HIGHEST)
    msk = jnp.dot(ohT, oh_pos * lf[:, None], preferred_element_type=F32, precision=jax.lax.Precision.HIGHEST)
    cn_ref[...] = jnp.where(msk > 0.5, vals, confp)


def _logits_prework(fq, wlin, blin, tgt, ep, idx, ptr, confp):
    i32 = jnp.int32
    outs = pl.pallas_call(
        _logits_body,
        out_shape=[
            jax.ShapeDtypeStruct((B, NUM_CLASSES), F32),
            jax.ShapeDtypeStruct((1, B), i32),
            jax.ShapeDtypeStruct((1, B), F32),
            jax.ShapeDtypeStruct((1, B), i32),
            jax.ShapeDtypeStruct((1, B), i32),
            jax.ShapeDtypeStruct((1, B), i32),
            jax.ShapeDtypeStruct((1, B), i32),
            jax.ShapeDtypeStruct((1, NCP), i32),
            jax.ShapeDtypeStruct((1, B), F32),
            jax.ShapeDtypeStruct((NCP, BUF), F32),
        ],
    )(fq, wlin, blin, tgt, ep, idx, ptr, confp)
    return outs


NB3 = 8
CB3 = DMLP // NB3


def _mlp_body(fq_ref, fk_ref, w1q_ref, w1k_ref, gq_ref, bq_ref, gk_ref, bk_ref,
              w2q_ref, w2k_ref, b2q_ref, b2k_ref, q_ref, k_ref):
    j = pl.program_id(0)
    fqb = fq_ref[...].astype(jnp.bfloat16)
    fkb = fk_ref[...].astype(jnp.bfloat16)
    w1q = w1q_ref[...]
    w1qb = w1q.astype(jnp.bfloat16)
    w1kb = (M * w1k_ref[...] + (1.0 - M) * w1q).astype(jnp.bfloat16)
    hq = jnp.dot(fqb, w1qb, preferred_element_type=F32)
    hk = jnp.dot(fkb, w1kb, preferred_element_type=F32)

    def bn(h, g, b):
        mu = jnp.mean(h, axis=0, keepdims=True)
        var = jnp.mean((h - mu) * (h - mu), axis=0, keepdims=True)
        return g * (h - mu) / jnp.sqrt(var + 1e-5) + b

    gq = gq_ref[...]
    bq = bq_ref[...]
    gk = M * gk_ref[...] + (1.0 - M) * gq
    bk = M * bk_ref[...] + (1.0 - M) * bq
    aq = jnp.maximum(bn(hq, gq, bq), 0.0)
    ak = jnp.maximum(bn(hk, gk, bk), 0.0)

    w2q = w2q_ref[...]
    w2qb = w2q.astype(jnp.bfloat16)
    w2kb = (M * w2k_ref[...] + (1.0 - M) * w2q).astype(jnp.bfloat16)
    cq = jnp.dot(aq.astype(jnp.bfloat16), w2qb, preferred_element_type=F32)
    ck = jnp.dot(ak.astype(jnp.bfloat16), w2kb, preferred_element_type=F32)

    @pl.when(j == 0)
    def _():
        q_ref[...] = cq + b2q_ref[...]
        k_ref[...] = ck + (M * b2k_ref[...] + (1.0 - M) * b2q_ref[...])

    @pl.when(j > 0)
    def _():
        q_ref[...] += cq
        k_ref[...] += ck

    @pl.when(j == NB3 - 1)
    def _():
        def l2n(v):
            n = jnp.sqrt(jnp.sum(v * v, axis=1, keepdims=True))
            return v / jnp.maximum(n, 1e-12)
        q_ref[...] = l2n(q_ref[...])
        k_ref[...] = l2n(k_ref[...])


def _mlp(fq, fk, w1q, w1k, gq, bq, gk, bk, w2q, w2k, b2q, b2k):
    out_sh = jax.ShapeDtypeStruct((B, DIM), F32)
    full = lambda r, c: pl.BlockSpec((r, c), lambda j: (0, 0))
    return pl.pallas_call(
        _mlp_body,
        grid=(NB3,),
        in_specs=[
            full(B, DMLP), full(B, DMLP),
            pl.BlockSpec((DMLP, CB3), lambda j: (0, j)),
            pl.BlockSpec((DMLP, CB3), lambda j: (0, j)),
            pl.BlockSpec((1, CB3), lambda j: (0, j)),
            pl.BlockSpec((1, CB3), lambda j: (0, j)),
            pl.BlockSpec((1, CB3), lambda j: (0, j)),
            pl.BlockSpec((1, CB3), lambda j: (0, j)),
            pl.BlockSpec((CB3, DIM), lambda j: (j, 0)),
            pl.BlockSpec((CB3, DIM), lambda j: (j, 0)),
            full(1, DIM), full(1, DIM),
        ],
        out_specs=[full(B, DIM), full(B, DIM)],
        out_shape=[out_sh, out_sh],
    )(fq, fk, w1q, w1k, gq, bq, gk, bk, w2q, w2k, b2q, b2k)


import functools
from jax import lax
from jax.experimental.pallas import tpu_sc as plsc

NW = 32
NWC = 25
CHUNK = 640
NWG = 16
RPW = 8


NROWS = NUM_CLASSES * BUF


def _srcmap_body(rw_ref, win_ref, live_ref, map_ref):
    r = pl.program_id(0)
    base = r * RB4
    rw = rw_ref[0]
    lv = live_ref[0]
    wn = win_ref[0].astype(F32)
    riota = jax.lax.broadcasted_iota(jnp.int32, (RB4, B), 0) + base
    st = jnp.where((riota == rw[None, :]) & (lv[None, :] > 0), 1.0, 0.0)
    winv = jnp.dot(st, wn[:, None], preferred_element_type=F32,
                   precision=jax.lax.Precision.HIGHEST)
    msk = jnp.sum(st, axis=1, keepdims=True)
    ridx = jax.lax.broadcasted_iota(jnp.int32, (RB4, 1), 0) + base
    map_ref[...] = jnp.where(msk > 0.5, NROWS + winv.astype(jnp.int32), ridx)


def _srcmap(rows_w, winner, live):
    return pl.pallas_call(
        _srcmap_body,
        grid=(NB4,),
        in_specs=[
            pl.BlockSpec((1, B), lambda r: (0, 0)),
            pl.BlockSpec((1, B), lambda r: (0, 0)),
            pl.BlockSpec((1, B), lambda r: (0, 0)),
        ],
        out_specs=pl.BlockSpec((RB4, 1), lambda r: (r, 0)),
        out_shape=jax.ShapeDtypeStruct((NROWS, 1), jnp.int32),
    )(rows_w, winner, live)


def _dmem_sc_body(tbl, srcmap, rr2, dnew, dg,
                  rr_v, gbuf, idx_v, cbuf, sem, sem2):
    wid = lax.axis_index("s") * 2 + lax.axis_index("c")

    @pl.when(wid < NWG)
    def _():
        pltpu.sync_copy(rr2.at[wid], rr_v)
        pltpu.async_copy(tbl.at[rr_v], gbuf, sem).wait()
        pltpu.sync_copy(gbuf, dg.at[pl.ds(wid * RPW, RPW)])

    @pl.when(wid < NWC)
    def _():
        pltpu.sync_copy(srcmap.at[pl.ds(wid * CHUNK, CHUNK)], idx_v)
        pltpu.async_copy(tbl.at[idx_v], cbuf, sem2).wait()
        pltpu.sync_copy(cbuf, dnew.at[pl.ds(wid * CHUNK, CHUNK)])


def _dmem_sc(dflat, k, rows_w, rows_r, winner, live):
    srcmap = _srcmap(rows_w, winner, live)
    tbl = jnp.concatenate([dflat, k], axis=0)
    mesh = plsc.VectorSubcoreMesh(core_axis_name="c", subcore_axis_name="s")
    f = functools.partial(
        pl.kernel,
        out_type=[
            jax.ShapeDtypeStruct((NROWS, DIM), F32),
            jax.ShapeDtypeStruct((B, DIM), F32),
        ],
        mesh=mesh,
        scratch_types=[
            pltpu.VMEM((RPW,), jnp.int32),
            pltpu.VMEM((RPW, DIM), F32),
            pltpu.VMEM((CHUNK,), jnp.int32),
            pltpu.VMEM((CHUNK, DIM), F32),
            pltpu.SemaphoreType.DMA,
            pltpu.SemaphoreType.DMA,
        ],
    )(_dmem_sc_body)
    return f(tbl, srcmap.reshape(NROWS),
             rows_r.reshape(NWG, RPW).astype(jnp.int32))


NB4 = 4
RB4 = (NUM_CLASSES * BUF) // NB4


def kernel(im_q, im_k, target, epoch, W_patch_q, Wfc1_q, gamma_q, beta_q, Wfc2_q, bfc2_q,
           W_patch_k, Wfc1_k, gamma_k, beta_k, Wfc2_k, bfc2_k, W_lin, b_lin, conf, d_buf, ptr):
    mq, mk = _img_reduce(im_q, im_k)

    fq = _proj_q(mq, W_patch_q)
    fk = _proj_k(mk, W_patch_q, W_patch_k)

    idx = jax.random.randint(jax.random.key(42), (B,), 0, BUF)
    ep_row = jnp.full((1, B), epoch, jnp.int32)
    tgt_row = target.astype(jnp.int32).reshape(1, B)
    idx_row = idx.astype(jnp.int32).reshape(1, B)
    ptr_pad = jnp.zeros((1, NCP), jnp.int32).at[0, :NUM_CLASSES].set(ptr)
    conf_pad = jnp.zeros((NCP, BUF), F32).at[:NUM_CLASSES].set(conf)

    (logits, pred, prob, rows_w, rows_r, live, winner, ptr_new_p, conf_g,
     conf_new_p) = _logits_prework(fq, W_lin, b_lin.reshape(1, NUM_CLASSES),
                                   tgt_row, ep_row, idx_row, ptr_pad, conf_pad)

    q, k = _mlp(fq, fk, Wfc1_q, Wfc1_k, gamma_q.reshape(1, DMLP), beta_q.reshape(1, DMLP),
                gamma_k.reshape(1, DMLP), beta_k.reshape(1, DMLP), Wfc2_q, Wfc2_k,
                bfc2_q.reshape(1, DIM), bfc2_k.reshape(1, DIM))

    dflat = d_buf.reshape(NUM_CLASSES * BUF, DIM)
    d_new_flat, d_g = _dmem_sc(dflat, k, rows_w, rows_r, winner, live)

    d_new = d_new_flat.reshape(NUM_CLASSES, BUF, DIM)
    conf_new = conf_new_p[:NUM_CLASSES]
    ptr_new = ptr_new_p[0, :NUM_CLASSES]
    return (q, k, d_g, logits, conf_g[0], d_new, conf_new, ptr_new)

# --- scband reference (transcript-rebuilt; emitter-appended) ---
"""Pipeline reference for scband-ltsb-cls-49907519979772 (READ-ONLY COPY).

The authoritative reference and input builder live on the scoring server;
editing this copy changes nothing except your own understanding.
"""

import jax, jax.numpy as jnp
import numpy as np

DIM = 128
M = 0.999
NUM_CLASSES = 1000
BUF = 16
DMLP = 2048

def l2norm(x, axis=-1, eps=1e-12):
    n = jnp.sqrt(jnp.sum(x * x, axis=axis, keepdims=True))
    return x / jnp.maximum(n, eps)

def batchnorm(x, gamma, beta, eps=1e-5):
    mu = jnp.mean(x, axis=0, keepdims=True)
    var = jnp.mean((x - mu) ** 2, axis=0, keepdims=True)
    return gamma * (x - mu) / jnp.sqrt(var + eps) + beta

def backbone(im, Wp):
    B = im.shape[0]
    p = im.reshape(B, 3, 14, 16, 14, 16).transpose(0, 2, 4, 1, 3, 5).reshape(B, 196, 768)
    return jnp.maximum(jnp.mean(p @ Wp, axis=1), 0.0)

def mlp_head(feat, W1, g, b, W2, b2):
    h = feat @ W1
    h = batchnorm(h, g, b)
    h = jnp.maximum(h, 0.0)
    return h @ W2 + b2

def setup_inputs(seed: int = 0):
    key = jax.random.key(seed)
    ks = jax.random.split(key, 12)
    B = 128
    im_q = jax.random.normal(ks[0], (B, 3, 224, 224), dtype=jnp.float32)
    im_k = jax.random.normal(ks[1], (B, 3, 224, 224), dtype=jnp.float32)
    target = jax.random.randint(ks[2], (B,), 0, NUM_CLASSES)
    W_patch_q = jax.random.normal(ks[3], (768, DMLP), dtype=jnp.float32) * 0.02
    Wfc1_q = jax.random.normal(ks[4], (DMLP, DMLP), dtype=jnp.float32) * 0.02
    gamma_q = jnp.ones((DMLP,), jnp.float32)
    beta_q = jnp.zeros((DMLP,), jnp.float32)
    Wfc2_q = jax.random.normal(ks[5], (DMLP, DIM), dtype=jnp.float32) * 0.02
    bfc2_q = jnp.zeros((DIM,), jnp.float32)
    W_lin = jax.random.normal(ks[6], (DMLP, NUM_CLASSES), dtype=jnp.float32) * 0.02
    b_lin = jnp.zeros((NUM_CLASSES,), jnp.float32)
    conf = jnp.zeros((NUM_CLASSES, BUF), jnp.float32)
    d_buf = l2norm(jax.random.uniform(ks[7], (NUM_CLASSES, BUF, DIM), dtype=jnp.float32), axis=2)
    ptr = jnp.zeros((NUM_CLASSES,), jnp.int32)
    return {"im_q": im_q, "im_k": im_k, "target": target, "epoch": 1,
            "W_patch_q": W_patch_q, "Wfc1_q": Wfc1_q, "gamma_q": gamma_q, "beta_q": beta_q,
            "Wfc2_q": Wfc2_q, "bfc2_q": bfc2_q,
            "W_patch_k": W_patch_q, "Wfc1_k": Wfc1_q, "gamma_k": gamma_q, "beta_k": beta_q,
            "Wfc2_k": Wfc2_q, "bfc2_k": bfc2_q,
            "W_lin": W_lin, "b_lin": b_lin, "conf": conf, "d_buf": d_buf, "ptr": ptr}

def reference(im_q, im_k, target, epoch, W_patch_q, Wfc1_q, gamma_q, beta_q, Wfc2_q, bfc2_q,
              W_patch_k, Wfc1_k, gamma_k, beta_k, Wfc2_k, bfc2_k, W_lin, b_lin, conf, d_buf, ptr):
    # momentum update of key encoder (no_grad in torch)
    W_patch_k = W_patch_k * M + W_patch_q * (1.0 - M)
    Wfc1_k = Wfc1_k * M + Wfc1_q * (1.0 - M)
    gamma_k = gamma_k * M + gamma_q * (1.0 - M)
    beta_k = beta_k * M + beta_q * (1.0 - M)
    Wfc2_k = Wfc2_k * M + Wfc2_q * (1.0 - M)
    bfc2_k = bfc2_k * M + bfc2_q * (1.0 - M)
    feat_q = backbone(im_q, W_patch_q)  # hook: feat_after_avg_q
    q = l2norm(mlp_head(feat_q, Wfc1_q, gamma_q, beta_q, Wfc2_q, bfc2_q))
    feat_k = backbone(im_k, W_patch_k)
    k = jax.lax.stop_gradient(l2norm(mlp_head(feat_k, Wfc1_k, gamma_k, beta_k, Wfc2_k, bfc2_k)))
    logits_q = feat_q @ W_lin + b_lin
    B = im_q.shape[0]
    pred = jnp.where(epoch < 0, target, jnp.argmax(logits_q, axis=1))
    idx = jax.random.randint(jax.random.key(42), (B,), 0, BUF)
    prob = jax.nn.sigmoid(logits_q)[jnp.arange(B), pred]
    # gather from class memory (before write, as in torch)
    d_g = d_buf[pred, idx]
    conf_g = conf[pred, idx]
    # sequential scatter write into class-indexed ring buffers (world_size=1 => gather is identity)
    def body(i, carry):
        d_b, c_b, p_b = carry
        lab = pred[i]
        p = p_b[lab]
        d_b = d_b.at[lab, p].set(k[i])
        c_b = c_b.at[lab, p].set(prob[i])
        p_b = p_b.at[lab].set((p + 1) % BUF)
        return (d_b, c_b, p_b)
    d_new, conf_new, ptr_new = jax.lax.fori_loop(0, B, body, (d_buf, conf, ptr))
    return (q, k, d_g, logits_q, conf_g, d_new, conf_new, ptr_new)

if __name__ == "__main__":
    import jax
    _d = setup_inputs()
    print(jax.jit(kernel)(*tuple(_d.values())))

</pallas_src>

<mosaic_0001>
#map = affine_map<(d0, d1) -> (0, 0)>
#map1 = affine_map<(d0, d1) -> (0)>
module attributes {stable_mosaic.version = 14 : i64} {
  func.func @_dmem_sc_body(%arg0: i32, %arg1: i32, %arg2: memref<16128x128xf32, #tpu.memory_space<hbm>>, %arg3: memref<16000xi32, #tpu.memory_space<hbm>>, %arg4: memref<16x8xi32, #tpu.memory_space<hbm>>, %arg5: memref<16000x128xf32, #tpu.memory_space<hbm>>, %arg6: memref<128x128xf32, #tpu.memory_space<hbm>>, %arg7: memref<8xi32, #tpu.memory_space<vmem>>, %arg8: memref<8x128xf32, #tpu.memory_space<vmem>>, %arg9: memref<640xi32, #tpu.memory_space<vmem>>, %arg10: memref<640x128xf32, #tpu.memory_space<vmem>>, %arg11: memref<!tpu.dma_semaphore, #tpu.memory_space<semaphore_mem>>, %arg12: memref<!tpu.dma_semaphore, #tpu.memory_space<semaphore_mem>>) attributes {dimension_semantics = [#tpu.dimension_semantics<core_parallel>, #tpu.dimension_semantics<subcore_parallel>], iteration_bounds = array<i64: 2, 16>, scalar_prefetch = 0 : i64, scratch_operands = 6 : i64, tpu.core_type = #tpu.core_type<sc_vector_subcore>, window_params = [{transform_indices = #map}, {transform_indices = #map1}, {transform_indices = #map}, {transform_indices = #map}, {transform_indices = #map}]} {
    %mul3A = arith.constant 2 : i32
    %mul3A_0 = arith.muli %arg1, %mul3A : i32
    %add3A = arith.addi %mul3A_0, %arg0 : i32
    %lt3A = arith.constant 16 : i32
    %lt3A_1 = arith.cmpi slt, %add3A, %lt3A : i32
    %convert_element_type3A = arith.extui %lt3A_1 : i1 to i32
    %cond3A = arith.constant 0 : i32
    %cond3A_2 = arith.cmpi ne, %convert_element_type3A, %cond3A : i32
    scf.if %cond3A_2 {
      "tpu.region"() ({
        %run_scoped3A = tpu.sem_alloc : memref<!tpu.dma_semaphore, #tpu.memory_space<semaphore_mem>>
        %dma_start3A_14 = arith.constant 0 : i32
        %dma_start3A_15 = tpu.memref_slice %arg4[%add3A, %dma_start3A_14] : memref<16x8xi32, #tpu.memory_space<hbm>> -> memref<1x8xi32, #tpu.memory_space<hbm>>
        %dma_start3A_16 = tpu.memref_squeeze %dma_start3A_15 : memref<1x8xi32, #tpu.memory_space<hbm>> -> memref<8xi32, #tpu.memory_space<hbm>>
        %dma_start3A_17 = arith.constant 0 : i32
        %dma_start3A_18 = tpu.memref_slice %arg4[%add3A, %dma_start3A_17] : memref<16x8xi32, #tpu.memory_space<hbm>> -> memref<1x8xi32, #tpu.memory_space<hbm>>
        %dma_start3A_19 = tpu.memref_squeeze %dma_start3A_18 : memref<1x8xi32, #tpu.memory_space<hbm>> -> memref<8xi32, #tpu.memory_space<hbm>>
        tpu.enqueue_dma source(%dma_start3A_19 : memref<8xi32, #tpu.memory_space<hbm>>) target(%arg7 : memref<8xi32, #tpu.memory_space<vmem>>) target_semaphore(%run_scoped3A : memref<!tpu.dma_semaphore, #tpu.memory_space<semaphore_mem>>)
        %dma_wait3A_20 = arith.constant 0 : i32
        %dma_wait3A_21 = tpu.memref_slice %arg4[%add3A, %dma_wait3A_20] : memref<16x8xi32, #tpu.memory_space<hbm>> -> memref<1x8xi32, #tpu.memory_space<hbm>>
        %dma_wait3A_22 = tpu.memref_squeeze %dma_wait3A_21 : memref<1x8xi32, #tpu.memory_space<hbm>> -> memref<8xi32, #tpu.memory_space<hbm>>
        %dma_wait3A_23 = arith.constant 0 : i32
        %dma_wait3A_24 = tpu.memref_slice %arg4[%add3A, %dma_wait3A_23] : memref<16x8xi32, #tpu.memory_space<hbm>> -> memref<1x8xi32, #tpu.memory_space<hbm>>
        %dma_wait3A_25 = tpu.memref_squeeze %dma_wait3A_24 : memref<1x8xi32, #tpu.memory_space<hbm>> -> memref<8xi32, #tpu.memory_space<hbm>>
        tpu.wait_dma2 semaphore(%run_scoped3A : memref<!tpu.dma_semaphore, #tpu.memory_space<semaphore_mem>>) src(%dma_wait3A_25 : memref<8xi32, #tpu.memory_space<hbm>>) dst(%arg7 : memref<8xi32, #tpu.memory_space<vmem>>)
        tpu.yield
      }) : () -> ()
      %dma_start3A = arith.constant 0 : i32
      %dma_start3A_8 = arith.constant 0 : i32
      %dma_start3A_9 = tpu.memref_slice %arg2[%dma_start3A, %dma_start3A_8] : memref<16128x128xf32, #tpu.memory_space<hbm>> -> memref<16128x128xf32, #tpu.memory_space<hbm>>
      tpu.enqueue_indirect_dma source(%dma_start3A_9 : memref<16128x128xf32, #tpu.memory_space<hbm>>) target(%arg8 : memref<8x128xf32, #tpu.memory_space<vmem>>) offsets(%arg7 : memref<8xi32, #tpu.memory_space<vmem>>) semaphore(%arg11 : memref<!tpu.dma_semaphore, #tpu.memory_space<semaphore_mem>>)
      %dma_wait3A = arith.constant 0 : i32
      %dma_wait3A_10 = arith.constant 0 : i32
      %dma_wait3A_11 = tpu.memref_slice %arg2[%dma_wait3A, %dma_wait3A_10] : memref<16128x128xf32, #tpu.memory_space<hbm>> -> memref<16128x128xf32, #tpu.memory_space<hbm>>
      tpu.wait_indirect_dma semaphore(%arg11 : memref<!tpu.dma_semaphore, #tpu.memory_space<semaphore_mem>>) src(%dma_wait3A_11 : memref<16128x128xf32, #tpu.memory_space<hbm>>) dst(%arg8 : memref<8x128xf32, #tpu.memory_space<vmem>>)
      %mul3A_12 = arith.constant 8 : i32
      %mul3A_13 = arith.muli %add3A, %mul3A_12 : i32
      "tpu.region"() ({
        %run_scoped3A = tpu.sem_alloc : memref<!tpu.dma_semaphore, #tpu.memory_space<semaphore_mem>>
        %dma_start3A_14 = arith.constant 0 : i32
        %dma_start3A_15 = tpu.memref_slice %arg6[%mul3A_13, %dma_start3A_14] : memref<128x128xf32, #tpu.memory_space<hbm>> -> memref<8x128xf32, #tpu.memory_space<hbm>>
        %dma_start3A_16 = arith.constant 0 : i32
        %dma_start3A_17 = tpu.memref_slice %arg6[%mul3A_13, %dma_start3A_16] : memref<128x128xf32, #tpu.memory_space<hbm>> -> memref<8x128xf32, #tpu.memory_space<hbm>>
        tpu.enqueue_dma source(%arg8 : memref<8x128xf32, #tpu.memory_space<vmem>>) target(%dma_start3A_17 : memref<8x128xf32, #tpu.memory_space<hbm>>) target_semaphore(%run_scoped3A : memref<!tpu.dma_semaphore, #tpu.memory_space<semaphore_mem>>)
        %dma_wait3A_18 = arith.constant 0 : i32
        %dma_wait3A_19 = tpu.memref_slice %arg6[%mul3A_13, %dma_wait3A_18] : memref<128x128xf32, #tpu.memory_space<hbm>> -> memref<8x128xf32, #tpu.memory_space<hbm>>
        %dma_wait3A_20 = arith.constant 0 : i32
        %dma_wait3A_21 = tpu.memref_slice %arg6[%mul3A_13, %dma_wait3A_20] : memref<128x128xf32, #tpu.memory_space<hbm>> -> memref<8x128xf32, #tpu.memory_space<hbm>>
        tpu.wait_dma2 semaphore(%run_scoped3A : memref<!tpu.dma_semaphore, #tpu.memory_space<semaphore_mem>>) src(%arg8 : memref<8x128xf32, #tpu.memory_space<vmem>>) dst(%dma_wait3A_21 : memref<8x128xf32, #tpu.memory_space<hbm>>)
        tpu.yield
      }) : () -> ()
    } else {
    }
    %lt3A_3 = arith.constant 25 : i32
    %lt3A_4 = arith.cmpi slt, %add3A, %lt3A_3 : i32
    %convert_element_type3A_5 = arith.extui %lt3A_4 : i1 to i32
    %cond3A_6 = arith.constant 0 : i32
    %cond3A_7 = arith.cmpi ne, %convert_element_type3A_5, %cond3A_6 : i32
    scf.if %cond3A_7 {
      %mul3A_8 = arith.constant 640 : i32
      %mul3A_9 = arith.muli %add3A, %mul3A_8 : i32
      "tpu.region"() ({
        %run_scoped3A = tpu.sem_alloc : memref<!tpu.dma_semaphore, #tpu.memory_space<semaphore_mem>>
        %dma_start3A_16 = tpu.memref_slice %arg3[%mul3A_9] : memref<16000xi32, #tpu.memory_space<hbm>> -> memref<640xi32, #tpu.memory_space<hbm>>
        %dma_start3A_17 = tpu.memref_slice %arg3[%mul3A_9] : memref<16000xi32, #tpu.memory_space<hbm>> -> memref<640xi32, #tpu.memory_space<hbm>>
        tpu.enqueue_dma source(%dma_start3A_17 : memref<640xi32, #tpu.memory_space<hbm>>) target(%arg9 : memref<640xi32, #tpu.memory_space<vmem>>) target_semaphore(%run_scoped3A : memref<!tpu.dma_semaphore, #tpu.memory_space<semaphore_mem>>)
        %dma_wait3A_18 = tpu.memref_slice %arg3[%mul3A_9] : memref<16000xi32, #tpu.memory_space<hbm>> -> memref<640xi32, #tpu.memory_space<hbm>>
        %dma_wait3A_19 = tpu.memref_slice %arg3[%mul3A_9] : memref<16000xi32, #tpu.memory_space<hbm>> -> memref<640xi32, #tpu.memory_space<hbm>>
        tpu.wait_dma2 semaphore(%run_scoped3A : memref<!tpu.dma_semaphore, #tpu.memory_space<semaphore_mem>>) src(%dma_wait3A_19 : memref<640xi32, #tpu.memory_space<hbm>>) dst(%arg9 : memref<640xi32, #tpu.memory_space<vmem>>)
        tpu.yield
      }) : () -> ()
      %dma_start3A = arith.constant 0 : i32
      %dma_start3A_10 = arith.constant 0 : i32
      %dma_start3A_11 = tpu.memref_slice %arg2[%dma_start3A, %dma_start3A_10] : memref<16128x128xf32, #tpu.memory_space<hbm>> -> memref<16128x128xf32, #tpu.memory_space<hbm>>
      tpu.enqueue_indirect_dma source(%dma_start3A_11 : memref<16128x128xf32, #tpu.memory_space<hbm>>) target(%arg10 : memref<640x128xf32, #tpu.memory_space<vmem>>) offsets(%arg9 : memref<640xi32, #tpu.memory_space<vmem>>) semaphore(%arg12 : memref<!tpu.dma_semaphore, #tpu.memory_space<semaphore_mem>>)
      %dma_wait3A = arith.constant 0 : i32
      %dma_wait3A_12 = arith.constant 0 : i32
      %dma_wait3A_13 = tpu.memref_slice %arg2[%dma_wait3A, %dma_wait3A_12] : memref<16128x128xf32, #tpu.memory_space<hbm>> -> memref<16128x128xf32, #tpu.memory_space<hbm>>
      tpu.wait_indirect_dma semaphore(%arg12 : memref<!tpu.dma_semaphore, #tpu.memory_space<semaphore_mem>>) src(%dma_wait3A_13 : memref<16128x128xf32, #tpu.memory_space<hbm>>) dst(%arg10 : memref<640x128xf32, #tpu.memory_space<vmem>>)
      %mul3A_14 = arith.constant 640 : i32
      %mul3A_15 = arith.muli %add3A, %mul3A_14 : i32
      "tpu.region"() ({
        %run_scoped3A = tpu.sem_alloc : memref<!tpu.dma_semaphore, #tpu.memory_space<semaphore_mem>>
        %dma_start3A_16 = arith.constant 0 : i32
        %dma_start3A_17 = tpu.memref_slice %arg5[%mul3A_15, %dma_start3A_16] : memref<16000x128xf32, #tpu.memory_space<hbm>> -> memref<640x128xf32, #tpu.memory_space<hbm>>
        %dma_start3A_18 = arith.constant 0 : i32
        %dma_start3A_19 = tpu.memref_slice %arg5[%mul3A_15, %dma_start3A_18] : memref<16000x128xf32, #tpu.memory_space<hbm>> -> memref<640x128xf32, #tpu.memory_space<hbm>>
        tpu.enqueue_dma source(%arg10 : memref<640x128xf32, #tpu.memory_space<vmem>>) target(%dma_start3A_19 : memref<640x128xf32, #tpu.memory_space<hbm>>) target_semaphore(%run_scoped3A : memref<!tpu.dma_semaphore, #tpu.memory_space<semaphore_mem>>)
        %dma_wait3A_20 = arith.constant 0 : i32
        %dma_wait3A_21 = tpu.memref_slice %arg5[%mul3A_15, %dma_wait3A_20] : memref<16000x128xf32, #tpu.memory_space<hbm>> -> memref<640x128xf32, #tpu.memory_space<hbm>>
        %dma_wait3A_22 = arith.constant 0 : i32
        %dma_wait3A_23 = tpu.memref_slice %arg5[%mul3A_15, %dma_wait3A_22] : memref<16000x128xf32, #tpu.memory_space<hbm>> -> memref<640x128xf32, #tpu.memory_space<hbm>>
        tpu.wait_dma2 semaphore(%run_scoped3A : memref<!tpu.dma_semaphore, #tpu.memory_space<semaphore_mem>>) src(%arg10 : memref<640x128xf32, #tpu.memory_space<vmem>>) dst(%dma_wait3A_23 : memref<640x128xf32, #tpu.memory_space<hbm>>)
        tpu.yield
      }) : () -> ()
    } else {
    }
    return
  }
}

module attributes {stable_mosaic.version = 14 : i64} {
  func.func @_img_reduce_body(%arg0: i32, %arg1: memref<4x672x224xf32, #tpu.memory_space<vmem>>, %arg2: memref<192x2688xbf16, #tpu.memory_space<vmem>>, %arg3: memref<224x16xf32, #tpu.memory_space<vmem>>, %arg4: memref<4x48x16xf32, #tpu.memory_space<vmem>>) attributes {dimension_semantics = [#tpu.dimension_semantics<arbitrary>], iteration_bounds = array<i64: 32>, scalar_prefetch = 0 : i64, scratch_operands = 0 : i64, tpu.core_type = #tpu.core_type<tc>, window_params = [{transform_indices = @transform_0, window_bounds = array<i64: 4, 672, 224>}, {pipeline_mode = #tpu.pipeline_mode<synchronous>, transform_indices = @transform_1, window_bounds = array<i64: 192, 2688>}, {pipeline_mode = #tpu.pipeline_mode<synchronous>, transform_indices = @transform_2, window_bounds = array<i64: 224, 16>}, {transform_indices = @transform_3, window_bounds = array<i64: 4, 48, 16>}]} {
    %get3A = arith.constant 0 : index
    %get3A_0 = arith.constant 0 : index
    %get3A_1 = vector.load %arg2[%get3A, %get3A_0] : memref<192x2688xbf16, #tpu.memory_space<vmem>>, vector<192x2688xbf16>
    %get3A_2 = arith.constant 0 : index
    %get3A_3 = arith.constant 0 : index
    %get3A_4 = vector.load %arg3[%get3A_2, %get3A_3] : memref<224x16xf32, #tpu.memory_space<vmem>>, vector<224x16xf32>
    %get3A_5 = arith.constant 0 : index
    %get3A_6 = arith.constant 0 : index
    %get3A_7 = arith.constant 0 : index
    %get3A_8 = vector.load %arg1[%get3A_5, %get3A_6, %get3A_7] : memref<4x672x224xf32, #tpu.memory_space<vmem>>, vector<4x672x224xf32>
    %reshape3A = vector.shape_cast %get3A_8 : vector<4x672x224xf32> to vector<2688x224xf32>
    %convert_element_type3A = arith.truncf %reshape3A : vector<2688x224xf32> to vector<2688x224xbf16>
    %dot_general3A = arith.constant dense<0.000000e+00> : vector<192x224xf32>
    %dot_general3A_9 = tpu.matmul %get3A_1, %convert_element_type3A, %dot_general3A {dimension_numbers = #tpu.dot_dimension_numbers<[1], [0], [0], [1], [0, 0, 1, 1], [], []>, transpose_lhs_hint = false} : vector<192x2688xbf16>, vector<2688x224xbf16>, vector<192x224xf32> -> vector<192x224xf32>
    %dot_general3A_10 = arith.constant dense<0.000000e+00> : vector<192x16xf32>
    %dot_general3A_11 = tpu.matmul %dot_general3A_9, %get3A_4, %dot_general3A_10 {dimension_numbers = #tpu.dot_dimension_numbers<[1], [0], [0], [1], [0, 0, 1, 1], [], []>, precision = #tpu.contract_precision<fp32>, transpose_lhs_hint = false} : vector<192x224xf32>, vector<224x16xf32>, vector<192x16xf32> -> vector<192x16xf32>
    %mul3A = arith.constant 0.00510204071 : f32
    %mul3A_12 = vector.broadcast %mul3A : f32 to vector<192x16xf32>
    %mul3A_13 = arith.mulf %dot_general3A_11, %mul3A_12 : vector<192x16xf32>
    %reshape3A_14 = vector.shape_cast %mul3A_13 : vector<192x16xf32> to vector<4x48x16xf32>
    %swap3A = arith.constant 0 : index
    %swap3A_15 = arith.constant 0 : index
    %swap3A_16 = arith.constant 0 : index
    %swap3A_17 = vector.load %arg4[%swap3A, %swap3A_15, %swap3A_16] : memref<4x48x16xf32, #tpu.memory_space<vmem>>, vector<4x48x16xf32>
    tpu.vector_store %arg4[%swap3A, %swap3A_15, %swap3A_16], %reshape3A_14 {strides = array<i32>} : memref<4x48x16xf32, #tpu.memory_space<vmem>>, vector<4x48x16xf32>,
    return
  }
  func.func @transform_0(%arg0: i32) -> (i32, i32, i32) {
    %c0_i32 = arith.constant 0 : i32
    %c0_i32_0 = arith.constant 0 : i32
    %c0_i32_1 = arith.constant 0 : i32
    return %arg0, %c0_i32, %c0_i32_0 : i32, i32, i32
  }
  func.func @transform_1(%arg0: i32) -> (i32, i32) {
    %c0_i32 = arith.constant 0 : i32
    %c0_i32_0 = arith.constant 0 : i32
    %c0_i32_1 = arith.constant 0 : i32
    return %c0_i32, %c0_i32_0 : i32, i32
  }
  func.func @transform_2(%arg0: i32) -> (i32, i32) {
    %c0_i32 = arith.constant 0 : i32
    %c0_i32_0 = arith.constant 0 : i32
    %c0_i32_1 = arith.constant 0 : i32
    return %c0_i32, %c0_i32_0 : i32, i32
  }
  func.func @transform_3(%arg0: i32) -> (i32, i32, i32) {
    %c0_i32 = arith.constant 0 : i32
    %c0_i32_0 = arith.constant 0 : i32
    %c0_i32_1 = arith.constant 0 : i32
    return %arg0, %c0_i32, %c0_i32_0 : i32, i32, i32
  }
}

module attributes {stable_mosaic.version = 14 : i64} {
  func.func @_proj_q_body(%arg0: memref<128x768xf32, #tpu.memory_space<vmem>>, %arg1: memref<768x2048xf32, #tpu.memory_space<vmem>>, %arg2: memref<128x2048xf32, #tpu.memory_space<vmem>>) attributes {dimension_semantics = [], scalar_prefetch = 0 : i64, scratch_operands = 0 : i64, tpu.core_type = #tpu.core_type<tc>} {
    %get3A = arith.constant 0 : index
    %get3A_0 = arith.constant 0 : index
    %get3A_1 = vector.load %arg1[%get3A, %get3A_0] : memref<768x2048xf32, #tpu.memory_space<vmem>>, vector<768x2048xf32>
    %convert_element_type3A = arith.truncf %get3A_1 : vector<768x2048xf32> to vector<768x2048xbf16>
    %convert_element_type3A_2 = arith.extf %convert_element_type3A : vector<768x2048xbf16> to vector<768x2048xf32>
    %get3A_3 = arith.constant 0 : index
    %get3A_4 = arith.constant 0 : index
    %get3A_5 = vector.load %arg0[%get3A_3, %get3A_4] : memref<128x768xf32, #tpu.memory_space<vmem>>, vector<128x768xf32>
    %dot_general3A = arith.constant dense<0.000000e+00> : vector<128x2048xf32>
    %dot_general3A_6 = tpu.matmul %get3A_5, %convert_element_type3A_2, %dot_general3A {dimension_numbers = #tpu.dot_dimension_numbers<[1], [0], [0], [1], [0, 0, 1, 1], [], []>, precision = #tpu.contract_precision<fp32>, transpose_lhs_hint = false} : vector<128x768xf32>, vector<768x2048xf32>, vector<128x2048xf32> -> vector<128x2048xf32>
    %max3A = arith.constant 0.000000e+00 : f32
    %max3A_7 = vector.broadcast %max3A : f32 to vector<128x2048xf32>
    %max3A_8 = arith.maximumf %dot_general3A_6, %max3A_7 : vector<128x2048xf32>
    %swap3A = arith.constant 0 : index
    %swap3A_9 = arith.constant 0 : index
    %swap3A_10 = vector.load %arg2[%swap3A, %swap3A_9] : memref<128x2048xf32, #tpu.memory_space<vmem>>, vector<128x2048xf32>
    tpu.vector_store %arg2[%swap3A, %swap3A_9], %max3A_8 {strides = array<i32>} : memref<128x2048xf32, #tpu.memory_space<vmem>>, vector<128x2048xf32>,
    return
  }
}

module attributes {stable_mosaic.version = 14 : i64} {
  func.func @_logits_body(%arg0: memref<128x2048xf32, #tpu.memory_space<vmem>>, %arg1: memref<2048x1000xf32, #tpu.memory_space<vmem>>, %arg2: memref<1x1000xf32, #tpu.memory_space<vmem>>, %arg3: memref<1x128xi32, #tpu.memory_space<vmem>>, %arg4: memref<1x128xi32, #tpu.memory_space<vmem>>, %arg5: memref<1x128xi32, #tpu.memory_space<vmem>>, %arg6: memref<1x1024xi32, #tpu.memory_space<vmem>>, %arg7: memref<1024x16xf32, #tpu.memory_space<vmem>>, %arg8: memref<128x1000xf32, #tpu.memory_space<vmem>>, %arg9: memref<1x128xi32, #tpu.memory_space<vmem>>, %arg10: memref<1x128xf32, #tpu.memory_space<vmem>>, %arg11: memref<1x128xi32, #tpu.memory_space<vmem>>, %arg12: memref<1x128xi32, #tpu.memory_space<vmem>>, %arg13: memref<1x128xi32, #tpu.memory_space<vmem>>, %arg14: memref<1x128xi32, #tpu.memory_space<vmem>>, %arg15: memref<1x1024xi32, #tpu.memory_space<vmem>>, %arg16: memref<1x128xf32, #tpu.memory_space<vmem>>, %arg17: memref<1024x16xf32, #tpu.memory_space<vmem>>) attributes {dimension_semantics = [], scalar_prefetch = 0 : i64, scratch_operands = 0 : i64, tpu.core_type = #tpu.core_type<tc>} {
    %get3A = arith.constant 0 : index
    %get3A_0 = arith.constant 0 : index
    %get3A_1 = vector.load %arg0[%get3A, %get3A_0] : memref<128x2048xf32, #tpu.memory_space<vmem>>, vector<128x2048xf32>
    %convert_element_type3A = arith.truncf %get3A_1 : vector<128x2048xf32> to vector<128x2048xbf16>
    %get3A_2 = arith.constant 0 : index
    %get3A_3 = arith.constant 0 : index
    %get3A_4 = vector.load %arg1[%get3A_2, %get3A_3] : memref<2048x1000xf32, #tpu.memory_space<vmem>>, vector<2048x1000xf32>
    %convert_element_type3A_5 = arith.truncf %get3A_4 : vector<2048x1000xf32> to vector<2048x1000xbf16>
    %dot_general3A = arith.constant dense<0.000000e+00> : vector<128x1000xf32>
    %dot_general3A_6 = tpu.matmul %convert_element_type3A, %convert_element_type3A_5, %dot_general3A {dimension_numbers = #tpu.dot_dimension_numbers<[1], [0], [0], [1], [0, 0, 1, 1], [], []>, transpose_lhs_hint = false} : vector<128x2048xbf16>, vector<2048x1000xbf16>, vector<128x1000xf32> -> vector<128x1000xf32>
    %get3A_7 = arith.constant 0 : index
    %get3A_8 = arith.constant 0 : index
    %get3A_9 = vector.load %arg2[%get3A_7, %get3A_8] : memref<1x1000xf32, #tpu.memory_space<vmem>>, vector<1x1000xf32>
    %add3A = vector.broadcast %get3A_9 : vector<1x1000xf32> to vector<128x1000xf32>
    %add3A_10 = arith.addf %dot_general3A_6, %add3A : vector<128x1000xf32>
    %swap3A = arith.constant 0 : index
    %swap3A_11 = arith.constant 0 : index
    %swap3A_12 = vector.load %arg8[%swap3A, %swap3A_11] : memref<128x1000xf32, #tpu.memory_space<vmem>>, vector<128x1000xf32>
    tpu.vector_store %arg8[%swap3A, %swap3A_11], %add3A_10 {strides = array<i32>} : memref<128x1000xf32, #tpu.memory_space<vmem>>, vector<128x1000xf32>,
    %reduce_max3A = arith.constant dense<0xFF800000> : vector<128xf32>
    %reduce_max3A_13 = vector.multi_reduction <maximumf>, %add3A_10, %reduce_max3A [1] : vector<128x1000xf32> to vector<128xf32>
    %broadcast_in_dim3A = vector.shape_cast %reduce_max3A_13 : vector<128xf32> to vector<128x1xf32>
    %iota3A = tpu.iota {dimensions = array<i32: 1>} : vector<128x1000xi32>
    %ge3A = vector.broadcast %broadcast_in_dim3A : vector<128x1xf32> to vector<128x1000xf32>
    %ge3A_14 = arith.cmpf oge, %add3A_10, %ge3A : vector<128x1000xf32>
    %jit3A = arith.constant 1000 : i32
    %broadcast_in_dim3A_15 = vector.broadcast %jit3A : i32 to vector<128x1000xi32>
    %select_n3A = arith.select %ge3A_14, %iota3A, %broadcast_in_dim3A_15 : vector<128x1000xi1>, vector<128x1000xi32>
    %reduce_min3A = arith.constant dense<2147483647> : vector<128xi32>
    %reduce_min3A_16 = vector.multi_reduction <minsi>, %select_n3A, %reduce_min3A [1] : vector<128x1000xi32> to vector<128xi32>
    %get3A_17 = arith.constant 0 : index
    %get3A_18 = arith.constant 0 : index
    %get3A_19 = vector.load %arg4[%get3A_17, %get3A_18] : memref<1x128xi32, #tpu.memory_space<vmem>>, vector<1x128xi32>
    %get3A_20 = vector.shape_cast %get3A_19 : vector<1x128xi32> to vector<128xi32>
    %get3A_21 = arith.constant 0 : index
    %get3A_22 = arith.constant 0 : index
    %get3A_23 = vector.load %arg3[%get3A_21, %get3A_22] : memref<1x128xi32, #tpu.memory_space<vmem>>, vector<1x128xi32>
    %get3A_24 = vector.shape_cast %get3A_23 : vector<1x128xi32> to vector<128xi32>
    %lt3A = arith.constant 0 : i32
    %lt3A_25 = vector.broadcast %lt3A : i32 to vector<128xi32>
    %lt3A_26 = arith.cmpi slt, %get3A_20, %lt3A_25 : vector<128xi32>
    %select_n3A_27 = arith.select %lt3A_26, %get3A_24, %reduce_min3A_16 : vector<128xi1>, vector<128xi32>
    %swap3A_28 = arith.constant 0 : index
    %swap3A_29 = arith.constant 0 : index
    %swap3A_30 = vector.load %arg9[%swap3A_28, %swap3A_29] : memref<1x128xi32, #tpu.memory_space<vmem>>, vector<1x128xi32>
    %swap3A_31 = vector.shape_cast %swap3A_30 : vector<1x128xi32> to vector<128xi32>
    %swap3A_32 = vector.shape_cast %select_n3A_27 : vector<128xi32> to vector<1x128xi32>
    tpu.vector_store %arg9[%swap3A_28, %swap3A_29], %swap3A_32 {strides = array<i32>} : memref<1x128xi32, #tpu.memory_space<vmem>>, vector<1x128xi32>,
    %neg3A = arith.constant 0.000000e+00 : f32
    %neg3A_33 = vector.broadcast %neg3A : f32 to vector<128x1000xf32>
    %neg3A_34 = arith.subf %neg3A_33, %add3A_10 : vector<128x1000xf32>
    %exp3A = math.exp %neg3A_34 : vector<128x1000xf32>
    %add3A_35 = arith.constant 1.000000e+00 : f32
    %add3A_36 = vector.broadcast %add3A_35 : f32 to vector<128x1000xf32>
    %add3A_37 = arith.addf %add3A_36, %exp3A : vector<128x1000xf32>
    %div3A = arith.constant 1.000000e+00 : f32
    %div3A_38 = vector.broadcast %div3A : f32 to vector<128x1000xf32>
    %div3A_39 = arith.divf %div3A_38, %add3A_37 : vector<128x1000xf32>
    %iota3A_40 = tpu.iota {dimensions = array<i32: 1>} : vector<128x1024xi32>
    %broadcast_in_dim3A_41 = vector.shape_cast %select_n3A_27 : vector<128xi32> to vector<128x1xi32>
    %eq3A = vector.broadcast %broadcast_in_dim3A_41 : vector<128x1xi32> to vector<128x1024xi32>
    %eq3A_42 = arith.cmpi eq, %iota3A_40, %eq3A : vector<128x1024xi32>
    %convert_element_type3A_43 = arith.extui %eq3A_42 : vector<128x1024xi1> to vector<128x1024xi32>
    %convert_element_type3A_44 = arith.sitofp %convert_element_type3A_43 : vector<128x1024xi32> to vector<128x1024xf32>
    %slice3A = vector.extract_strided_slice %convert_element_type3A_44 {offsets = [0, 0], sizes = [128, 1000], strides = [1, 1]} : vector<128x1024xf32> to vector<128x1000xf32>
    %mul3A = arith.mulf %div3A_39, %slice3A : vector<128x1000xf32>
    %reduce_sum3A = arith.constant dense<0.000000e+00> : vector<128xf32>
    %reduce_sum3A_45 = vector.multi_reduction <add>, %mul3A, %reduce_sum3A [1] : vector<128x1000xf32> to vector<128xf32>
    %swap3A_46 = arith.constant 0 : index
    %swap3A_47 = arith.constant 0 : index
    %swap3A_48 = vector.load %arg10[%swap3A_46, %swap3A_47] : memref<1x128xf32, #tpu.memory_space<vmem>>, vector<1x128xf32>
    %swap3A_49 = vector.shape_cast %swap3A_48 : vector<1x128xf32> to vector<128xf32>
    %swap3A_50 = vector.shape_cast %reduce_sum3A_45 : vector<128xf32> to vector<1x128xf32>
    tpu.vector_store %arg10[%swap3A_46, %swap3A_47], %swap3A_50 {strides = array<i32>} : memref<1x128xf32, #tpu.memory_space<vmem>>, vector<1x128xf32>,
    %get3A_51 = arith.constant 0 : index
    %get3A_52 = arith.constant 0 : index
    %get3A_53 = vector.load %arg6[%get3A_51, %get3A_52] : memref<1x1024xi32, #tpu.memory_space<vmem>>, vector<1x1024xi32>
    %convert_element_type3A_54 = arith.sitofp %get3A_53 : vector<1x1024xi32> to vector<1x1024xf32>
    %mul3A_55 = vector.broadcast %convert_element_type3A_54 : vector<1x1024xf32> to vector<128x1024xf32>
    %mul3A_56 = arith.mulf %convert_element_type3A_44, %mul3A_55 : vector<128x1024xf32>
    %reduce_sum3A_57 = arith.constant dense<0.000000e+00> : vector<128xf32>
    %reduce_sum3A_58 = vector.multi_reduction <add>, %mul3A_56, %reduce_sum3A_57 [1] : vector<128x1024xf32> to vector<128xf32>
    %iota3A_59 = tpu.iota {dimensions = array<i32: 0>} : vector<128x128xi32>
    %iota3A_60 = tpu.iota {dimensions = array<i32: 1>} : vector<128x128xi32>
    %broadcast_in_dim3A_61 = vector.shape_cast %select_n3A_27 : vector<128xi32> to vector<128x1xi32>
    %broadcast_in_dim3A_62 = vector.shape_cast %select_n3A_27 : vector<128xi32> to vector<1x128xi32>
    %eq3A_63 = vector.broadcast %broadcast_in_dim3A_61 : vector<128x1xi32> to vector<128x128xi32>
    %eq3A_64 = vector.broadcast %broadcast_in_dim3A_62 : vector<1x128xi32> to vector<128x128xi32>
    %eq3A_65 = arith.cmpi eq, %eq3A_63, %eq3A_64 : vector<128x128xi32>
    %lt3A_66 = arith.cmpi slt, %iota3A_60, %iota3A_59 : vector<128x128xi32>
    %and3A = arith.andi %eq3A_65, %lt3A_66 : vector<128x128xi1>
    %jit3A_67 = arith.constant 1.000000e+00 : f32
    %jit3A_68 = arith.constant 0.000000e+00 : f32
    %broadcast_in_dim3A_69 = vector.broadcast %jit3A_67 : f32 to vector<128x128xf32>
    %broadcast_in_dim3A_70 = vector.broadcast %jit3A_68 : f32 to vector<128x128xf32>
    %select_n3A_71 = arith.select %and3A, %broadcast_in_dim3A_69, %broadcast_in_dim3A_70 : vector<128x128xi1>, vector<128x128xf32>
    %reduce_sum3A_72 = arith.constant dense<0.000000e+00> : vector<128xf32>
    %reduce_sum3A_73 = vector.multi_reduction <add>, %select_n3A_71, %reduce_sum3A_72 [1] : vector<128x128xf32> to vector<128xf32>
    %add3A_74 = arith.addf %reduce_sum3A_58, %reduce_sum3A_73 : vector<128xf32>
    %mul3A_75 = arith.constant 6.250000e-02 : f32
    %mul3A_76 = vector.broadcast %mul3A_75 : f32 to vector<128xf32>
    %mul3A_77 = arith.mulf %add3A_74, %mul3A_76 : vector<128xf32>
    %floor3A = math.floor %mul3A_77 : vector<128xf32>
    %mul3A_78 = arith.constant 1.600000e+01 : f32
    %mul3A_79 = vector.broadcast %mul3A_78 : f32 to vector<128xf32>
    %mul3A_80 = arith.mulf %mul3A_79, %floor3A : vector<128xf32>
    %sub3A = arith.subf %add3A_74, %mul3A_80 : vector<128xf32>
    %convert_element_type3A_81 = arith.fptosi %sub3A : vector<128xf32> to vector<128xi32>
    %mul3A_82 = arith.constant 16 : i32
    %mul3A_83 = vector.broadcast %mul3A_82 : i32 to vector<128xi32>
    %mul3A_84 = arith.muli %select_n3A_27, %mul3A_83 : vector<128xi32>
    %add3A_85 = arith.addi %mul3A_84, %convert_element_type3A_81 : vector<128xi32>
    %swap3A_86 = arith.constant 0 : index
    %swap3A_87 = arith.constant 0 : index
    %swap3A_88 = vector.load %arg11[%swap3A_86, %swap3A_87] : memref<1x128xi32, #tpu.memory_space<vmem>>, vector<1x128xi32>
    %swap3A_89 = vector.shape_cast %swap3A_88 : vector<1x128xi32> to vector<128xi32>
    %swap3A_90 = vector.shape_cast %add3A_85 : vector<128xi32> to vector<1x128xi32>
    tpu.vector_store %arg11[%swap3A_86, %swap3A_87], %swap3A_90 {strides = array<i32>} : memref<1x128xi32, #tpu.memory_space<vmem>>, vector<1x128xi32>,
    %get3A_91 = arith.constant 0 : index
    %get3A_92 = arith.constant 0 : index
    %get3A_93 = vector.load %arg5[%get3A_91, %get3A_92] : memref<1x128xi32, #tpu.memory_space<vmem>>, vector<1x128xi32>
    %get3A_94 = vector.shape_cast %get3A_93 : vector<1x128xi32> to vector<128xi32>
    %mul3A_95 = arith.constant 16 : i32
    %mul3A_96 = vector.broadcast %mul3A_95 : i32 to vector<128xi32>
    %mul3A_97 = arith.muli %select_n3A_27, %mul3A_96 : vector<128xi32>
    %add3A_98 = arith.addi %mul3A_97, %get3A_94 : vector<128xi32>
    %swap3A_99 = arith.constant 0 : index
    %swap3A_100 = arith.constant 0 : index
    %swap3A_101 = vector.load %arg12[%swap3A_99, %swap3A_100] : memref<1x128xi32, #tpu.memory_space<vmem>>, vector<1x128xi32>
    %swap3A_102 = vector.shape_cast %swap3A_101 : vector<1x128xi32> to vector<128xi32>
    %swap3A_103 = vector.shape_cast %add3A_98 : vector<128xi32> to vector<1x128xi32>
    tpu.vector_store %arg12[%swap3A_99, %swap3A_100], %swap3A_103 {strides = array<i32>} : memref<1x128xi32, #tpu.memory_space<vmem>>, vector<1x128xi32>,
    %broadcast_in_dim3A_104 = vector.shape_cast %add3A_85 : vector<128xi32> to vector<128x1xi32>
    %broadcast_in_dim3A_105 = vector.shape_cast %add3A_85 : vector<128xi32> to vector<1x128xi32>
    %eq3A_106 = vector.broadcast %broadcast_in_dim3A_104 : vector<128x1xi32> to vector<128x128xi32>
    %eq3A_107 = vector.broadcast %broadcast_in_dim3A_105 : vector<1x128xi32> to vector<128x128xi32>
    %eq3A_108 = arith.cmpi eq, %eq3A_106, %eq3A_107 : vector<128x128xi32>
    %gt3A = arith.cmpi sgt, %iota3A_60, %iota3A_59 : vector<128x128xi32>
    %and3A_109 = arith.andi %eq3A_108, %gt3A : vector<128x128xi1>
    %jit3A_110 = arith.constant 1.000000e+00 : f32
    %jit3A_111 = arith.constant 0.000000e+00 : f32
    %broadcast_in_dim3A_112 = vector.broadcast %jit3A_110 : f32 to vector<128x128xf32>
    %broadcast_in_dim3A_113 = vector.broadcast %jit3A_111 : f32 to vector<128x128xf32>
    %select_n3A_114 = arith.select %and3A_109, %broadcast_in_dim3A_112, %broadcast_in_dim3A_113 : vector<128x128xi1>, vector<128x128xf32>
    %reduce_sum3A_115 = arith.constant dense<0.000000e+00> : vector<128xf32>
    %reduce_sum3A_116 = vector.multi_reduction <add>, %select_n3A_114, %reduce_sum3A_115 [1] : vector<128x128xf32> to vector<128xf32>
    %lt3A_117 = arith.constant 5.000000e-01 : f32
    %lt3A_118 = vector.broadcast %lt3A_117 : f32 to vector<128xf32>
    %lt3A_119 = arith.cmpf olt, %reduce_sum3A_116, %lt3A_118 : vector<128xf32>
    %convert_element_type3A_120 = arith.extui %lt3A_119 : vector<128xi1> to vector<128xi32>
    %swap3A_121 = arith.constant 0 : index
    %swap3A_122 = arith.constant 0 : index
    %swap3A_123 = vector.load %arg13[%swap3A_121, %swap3A_122] : memref<1x128xi32, #tpu.memory_space<vmem>>, vector<1x128xi32>
    %swap3A_124 = vector.shape_cast %swap3A_123 : vector<1x128xi32> to vector<128xi32>
    %swap3A_125 = vector.shape_cast %convert_element_type3A_120 : vector<128xi32> to vector<1x128xi32>
    tpu.vector_store %arg13[%swap3A_121, %swap3A_122], %swap3A_125 {strides = array<i32>} : memref<1x128xi32, #tpu.memory_space<vmem>>, vector<1x128xi32>,
    %jit3A_126 = arith.constant -1 : i32
    %broadcast_in_dim3A_127 = vector.broadcast %jit3A_126 : i32 to vector<128x128xi32>
    %select_n3A_128 = arith.select %eq3A_108, %iota3A_60, %broadcast_in_dim3A_127 : vector<128x128xi1>, vector<128x128xi32>
    %reduce_max3A_129 = arith.constant dense<-2147483648> : vector<128xi32>
    %reduce_max3A_130 = vector.multi_reduction <maxsi>, %select_n3A_128, %reduce_max3A_129 [1] : vector<128x128xi32> to vector<128xi32>
    %swap3A_131 = arith.constant 0 : index
    %swap3A_132 = arith.constant 0 : index
    %swap3A_133 = vector.load %arg14[%swap3A_131, %swap3A_132] : memref<1x128xi32, #tpu.memory_space<vmem>>, vector<1x128xi32>
    %swap3A_134 = vector.shape_cast %swap3A_133 : vector<1x128xi32> to vector<128xi32>
    %swap3A_135 = vector.shape_cast %reduce_max3A_130 : vector<128xi32> to vector<1x128xi32>
    tpu.vector_store %arg14[%swap3A_131, %swap3A_132], %swap3A_135 {strides = array<i32>} : memref<1x128xi32, #tpu.memory_space<vmem>>, vector<1x128xi32>,
    %reduce_sum3A_136 = arith.constant dense<0.000000e+00> : vector<1024xf32>
    %reduce_sum3A_137 = vector.multi_reduction <add>, %convert_element_type3A_44, %reduce_sum3A_136 [0] : vector<128x1024xf32> to vector<1024xf32>
    %squeeze3A = vector.shape_cast %convert_element_type3A_54 : vector<1x1024xf32> to vector<1024xf32>
    %add3A_138 = arith.addf %squeeze3A, %reduce_sum3A_137 : vector<1024xf32>
    %mul3A_139 = arith.constant 6.250000e-02 : f32
    %mul3A_140 = vector.broadcast %mul3A_139 : f32 to vector<1024xf32>
    %mul3A_141 = arith.mulf %add3A_138, %mul3A_140 : vector<1024xf32>
    %floor3A_142 = math.floor %mul3A_141 : vector<1024xf32>
    %mul3A_143 = arith.constant 1.600000e+01 : f32
    %mul3A_144 = vector.broadcast %mul3A_143 : f32 to vector<1024xf32>
    %mul3A_145 = arith.mulf %mul3A_144, %floor3A_142 : vector<1024xf32>
    %sub3A_146 = arith.subf %add3A_138, %mul3A_145 : vector<1024xf32>
    %broadcast_in_dim3A_147 = vector.shape_cast %sub3A_146 : vector<1024xf32> to vector<1x1024xf32>
    %convert_element_type3A_148 = arith.fptosi %broadcast_in_dim3A_147 : vector<1x1024xf32> to vector<1x1024xi32>
    %swap3A_149 = arith.constant 0 : index
    %swap3A_150 = arith.constant 0 : index
    %swap3A_151 = vector.load %arg15[%swap3A_149, %swap3A_150] : memref<1x1024xi32, #tpu.memory_space<vmem>>, vector<1x1024xi32>
    tpu.vector_store %arg15[%swap3A_149, %swap3A_150], %convert_element_type3A_148 {strides = array<i32>} : memref<1x1024xi32, #tpu.memory_space<vmem>>, vector<1x1024xi32>,
    %get3A_152 = arith.constant 0 : index
    %get3A_153 = arith.constant 0 : index
    %get3A_154 = vector.load %arg7[%get3A_152, %get3A_153] : memref<1024x16xf32, #tpu.memory_space<vmem>>, vector<1024x16xf32>
    %dot_general3A_155 = arith.constant dense<0.000000e+00> : vector<128x16xf32>
    %dot_general3A_156 = tpu.matmul %convert_element_type3A_44, %get3A_154, %dot_general3A_155 {dimension_numbers = #tpu.dot_dimension_numbers<[1], [0], [0], [1], [0, 0, 1, 1], [], []>, precision = #tpu.contract_precision<fp32>, transpose_lhs_hint = false} : vector<128x1024xf32>, vector<1024x16xf32>, vector<128x16xf32> -> vector<128x16xf32>
    %iota3A_157 = tpu.iota {dimensions = array<i32: 1>} : vector<128x16xi32>
    %broadcast_in_dim3A_158 = vector.shape_cast %get3A_94 : vector<128xi32> to vector<128x1xi32>
    %eq3A_159 = vector.broadcast %broadcast_in_dim3A_158 : vector<128x1xi32> to vector<128x16xi32>
    %eq3A_160 = arith.cmpi eq, %iota3A_157, %eq3A_159 : vector<128x16xi32>
    %convert_element_type3A_161 = arith.extui %eq3A_160 : vector<128x16xi1> to vector<128x16xi32>
    %convert_element_type3A_162 = arith.sitofp %convert_element_type3A_161 : vector<128x16xi32> to vector<128x16xf32>
    %mul3A_163 = arith.mulf %dot_general3A_156, %convert_element_type3A_162 : vector<128x16xf32>
    %reduce_sum3A_164 = arith.constant dense<0.000000e+00> : vector<128xf32>
    %reduce_sum3A_165 = vector.multi_reduction <add>, %mul3A_163, %reduce_sum3A_164 [1] : vector<128x16xf32> to vector<128xf32>
    %swap3A_166 = arith.constant 0 : index
    %swap3A_167 = arith.constant 0 : index
    %swap3A_168 = vector.load %arg16[%swap3A_166, %swap3A_167] : memref<1x128xf32, #tpu.memory_space<vmem>>, vector<1x128xf32>
    %swap3A_169 = vector.shape_cast %swap3A_168 : vector<1x128xf32> to vector<128xf32>
    %swap3A_170 = vector.shape_cast %reduce_sum3A_165 : vector<128xf32> to vector<1x128xf32>
    tpu.vector_store %arg16[%swap3A_166, %swap3A_167], %swap3A_170 {strides = array<i32>} : memref<1x128xf32, #tpu.memory_space<vmem>>, vector<1x128xf32>,
    %iota3A_171 = tpu.iota {dimensions = array<i32: 0>} : vector<1024x128xi32>
    %broadcast_in_dim3A_172 = vector.shape_cast %select_n3A_27 : vector<128xi32> to vector<1x128xi32>
    %eq3A_173 = vector.broadcast %broadcast_in_dim3A_172 : vector<1x128xi32> to vector<1024x128xi32>
    %eq3A_174 = arith.cmpi eq, %iota3A_171, %eq3A_173 : vector<1024x128xi32>
    %convert_element_type3A_175 = arith.extui %eq3A_174 : vector<1024x128xi1> to vector<1024x128xi32>
    %convert_element_type3A_176 = arith.sitofp %convert_element_type3A_175 : vector<1024x128xi32> to vector<1024x128xf32>
    %iota3A_177 = tpu.iota {dimensions = array<i32: 1>} : vector<128x16xi32>
    %broadcast_in_dim3A_178 = vector.shape_cast %convert_element_type3A_81 : vector<128xi32> to vector<128x1xi32>
    %eq3A_179 = vector.broadcast %broadcast_in_dim3A_178 : vector<128x1xi32> to vector<128x16xi32>
    %eq3A_180 = arith.cmpi eq, %iota3A_177, %eq3A_179 : vector<128x16xi32>
    %convert_element_type3A_181 = arith.extui %eq3A_180 : vector<128x16xi1> to vector<128x16xi32>
    %convert_element_type3A_182 = arith.sitofp %convert_element_type3A_181 : vector<128x16xi32> to vector<128x16xf32>
    %convert_element_type3A_183 = arith.extui %lt3A_119 : vector<128xi1> to vector<128xi32>
    %convert_element_type3A_184 = arith.sitofp %convert_element_type3A_183 : vector<128xi32> to vector<128xf32>
    %mul3A_185 = arith.mulf %convert_element_type3A_184, %reduce_sum3A_45 : vector<128xf32>
    %broadcast_in_dim3A_186 = vector.shape_cast %mul3A_185 : vector<128xf32> to vector<128x1xf32>
    %mul3A_187 = vector.broadcast %broadcast_in_dim3A_186 : vector<128x1xf32> to vector<128x16xf32>
    %mul3A_188 = arith.mulf %convert_element_type3A_182, %mul3A_187 : vector<128x16xf32>
    %dot_general3A_189 = arith.constant dense<0.000000e+00> : vector<1024x16xf32>
    %dot_general3A_190 = tpu.matmul %convert_element_type3A_176, %mul3A_188, %dot_general3A_189 {dimension_numbers = #tpu.dot_dimension_numbers<[1], [0], [0], [1], [0, 0, 1, 1], [], []>, precision = #tpu.contract_precision<fp32>, transpose_lhs_hint = false} : vector<1024x128xf32>, vector<128x16xf32>, vector<1024x16xf32> -> vector<1024x16xf32>
    %broadcast_in_dim3A_191 = vector.shape_cast %convert_element_type3A_184 : vector<128xf32> to vector<128x1xf32>
    %mul3A_192 = vector.broadcast %broadcast_in_dim3A_191 : vector<128x1xf32> to vector<128x16xf32>
    %mul3A_193 = arith.mulf %convert_element_type3A_182, %mul3A_192 : vector<128x16xf32>
    %dot_general3A_194 = arith.constant dense<0.000000e+00> : vector<1024x16xf32>
    %dot_general3A_195 = tpu.matmul %convert_element_type3A_176, %mul3A_193, %dot_general3A_194 {dimension_numbers = #tpu.dot_dimension_numbers<[1], [0], [0], [1], [0, 0, 1, 1], [], []>, precision = #tpu.contract_precision<fp32>, transpose_lhs_hint = false} : vector<1024x128xf32>, vector<128x16xf32>, vector<1024x16xf32> -> vector<1024x16xf32>
    %gt3A_196 = arith.constant 5.000000e-01 : f32
    %gt3A_197 = vector.broadcast %gt3A_196 : f32 to vector<1024x16xf32>
    %gt3A_198 = arith.cmpf ogt, %dot_general3A_195, %gt3A_197 : vector<1024x16xf32>
    %select_n3A_199 = arith.select %gt3A_198, %dot_general3A_190, %get3A_154 : vector<1024x16xi1>, vector<1024x16xf32>
    %swap3A_200 = arith.constant 0 : index
    %swap3A_201 = arith.constant 0 : index
    %swap3A_202 = vector.load %arg17[%swap3A_200, %swap3A_201] : memref<1024x16xf32, #tpu.memory_space<vmem>>, vector<1024x16xf32>
    tpu.vector_store %arg17[%swap3A_200, %swap3A_201], %select_n3A_199 {strides = array<i32>} : memref<1024x16xf32, #tpu.memory_space<vmem>>, vector<1024x16xf32>,
    return
  }
}

module attributes {stable_mosaic.version = 14 : i64} {
  func.func @_srcmap_body(%arg0: i32, %arg1: memref<1x128xi32, #tpu.memory_space<vmem>>, %arg2: memref<1x128xi32, #tpu.memory_space<vmem>>, %arg3: memref<1x128xi32, #tpu.memory_space<vmem>>, %arg4: memref<4000x1xi32, #tpu.memory_space<vmem>>) attributes {dimension_semantics = [#tpu.dimension_semantics<arbitrary>], iteration_bounds = array<i64: 4>, scalar_prefetch = 0 : i64, scratch_operands = 0 : i64, tpu.core_type = #tpu.core_type<tc>, window_params = [{pipeline_mode = #tpu.pipeline_mode<synchronous>, transform_indices = @transform_0, window_bounds = array<i64: 1, 128>}, {pipeline_mode = #tpu.pipeline_mode<synchronous>, transform_indices = @transform_1, window_bounds = array<i64: 1, 128>}, {pipeline_mode = #tpu.pipeline_mode<synchronous>, transform_indices = @transform_2, window_bounds = array<i64: 1, 128>}, {transform_indices = @transform_3, window_bounds = array<i64: 4000, 1>}]} {
    %mul3A = arith.constant 4000 : i32
    %mul3A_0 = arith.muli %arg0, %mul3A : i32
    %get3A = arith.constant 0 : index
    %get3A_1 = arith.constant 0 : index
    %get3A_2 = vector.load %arg1[%get3A, %get3A_1] : memref<1x128xi32, #tpu.memory_space<vmem>>, vector<1x128xi32>
    %get3A_3 = vector.shape_cast %get3A_2 : vector<1x128xi32> to vector<128xi32>
    %get3A_4 = arith.constant 0 : index
    %get3A_5 = arith.constant 0 : index
    %get3A_6 = vector.load %arg3[%get3A_4, %get3A_5] : memref<1x128xi32, #tpu.memory_space<vmem>>, vector<1x128xi32>
    %get3A_7 = vector.shape_cast %get3A_6 : vector<1x128xi32> to vector<128xi32>
    %get3A_8 = arith.constant 0 : index
    %get3A_9 = arith.constant 0 : index
    %get3A_10 = vector.load %arg2[%get3A_8, %get3A_9] : memref<1x128xi32, #tpu.memory_space<vmem>>, vector<1x128xi32>
    %get3A_11 = vector.shape_cast %get3A_10 : vector<1x128xi32> to vector<128xi32>
    %convert_element_type3A = arith.sitofp %get3A_11 : vector<128xi32> to vector<128xf32>
    %iota3A = tpu.iota {dimensions = array<i32: 0>} : vector<4000x128xi32>
    %add3A = vector.broadcast %mul3A_0 : i32 to vector<4000x128xi32>
    %add3A_12 = arith.addi %iota3A, %add3A : vector<4000x128xi32>
    %broadcast_in_dim3A = vector.shape_cast %get3A_3 : vector<128xi32> to vector<1x128xi32>
    %eq3A = vector.broadcast %broadcast_in_dim3A : vector<1x128xi32> to vector<4000x128xi32>
    %eq3A_13 = arith.cmpi eq, %add3A_12, %eq3A : vector<4000x128xi32>
    %broadcast_in_dim3A_14 = vector.shape_cast %get3A_7 : vector<128xi32> to vector<1x128xi32>
    %gt3A = arith.constant 0 : i32
    %gt3A_15 = vector.broadcast %gt3A : i32 to vector<1x128xi32>
    %gt3A_16 = arith.cmpi sgt, %broadcast_in_dim3A_14, %gt3A_15 : vector<1x128xi32>
    %and3A = vector.broadcast %gt3A_16 : vector<1x128xi1> to vector<4000x128xi1>
    %and3A_17 = arith.andi %eq3A_13, %and3A : vector<4000x128xi1>
    %jit3A = arith.constant 1.000000e+00 : f32
    %jit3A_18 = arith.constant 0.000000e+00 : f32
    %broadcast_in_dim3A_19 = vector.broadcast %jit3A : f32 to vector<4000x128xf32>
    %broadcast_in_dim3A_20 = vector.broadcast %jit3A_18 : f32 to vector<4000x128xf32>
    %select_n3A = arith.select %and3A_17, %broadcast_in_dim3A_19, %broadcast_in_dim3A_20 : vector<4000x128xi1>, vector<4000x128xf32>
    %broadcast_in_dim3A_21 = vector.shape_cast %convert_element_type3A : vector<128xf32> to vector<128x1xf32>
    %dot_general3A = arith.constant dense<0.000000e+00> : vector<4000x1xf32>
    %dot_general3A_22 = tpu.matmul %select_n3A, %broadcast_in_dim3A_21, %dot_general3A {dimension_numbers = #tpu.dot_dimension_numbers<[1], [0], [0], [1], [0, 0, 1, 1], [], []>, precision = #tpu.contract_precision<fp32>, transpose_lhs_hint = false} : vector<4000x128xf32>, vector<128x1xf32>, vector<4000x1xf32> -> vector<4000x1xf32>
    %reduce_sum3A = arith.constant dense<0.000000e+00> : vector<4000xf32>
    %reduce_sum3A_23 = vector.multi_reduction <add>, %select_n3A, %reduce_sum3A [1] : vector<4000x128xf32> to vector<4000xf32>
    %broadcast_in_dim3A_24 = vector.shape_cast %reduce_sum3A_23 : vector<4000xf32> to vector<4000x1xf32>
    %iota3A_25 = tpu.iota {dimensions = array<i32: 0>} : vector<4000x1xi32>
    %add3A_26 = vector.broadcast %mul3A_0 : i32 to vector<4000x1xi32>
    %add3A_27 = arith.addi %iota3A_25, %add3A_26 : vector<4000x1xi32>
    %gt3A_28 = arith.constant 5.000000e-01 : f32
    %gt3A_29 = vector.broadcast %gt3A_28 : f32 to vector<4000x1xf32>
    %gt3A_30 = arith.cmpf ogt, %broadcast_in_dim3A_24, %gt3A_29 : vector<4000x1xf32>
    %convert_element_type3A_31 = arith.fptosi %dot_general3A_22 : vector<4000x1xf32> to vector<4000x1xi32>
    %add3A_32 = arith.constant 16000 : i32
    %add3A_33 = vector.broadcast %add3A_32 : i32 to vector<4000x1xi32>
    %add3A_34 = arith.addi %add3A_33, %convert_element_type3A_31 : vector<4000x1xi32>
    %select_n3A_35 = arith.select %gt3A_30, %add3A_34, %add3A_27 : vector<4000x1xi1>, vector<4000x1xi32>
    %swap3A = arith.constant 0 : index
    %swap3A_36 = arith.constant 0 : index
    %swap3A_37 = vector.load %arg4[%swap3A, %swap3A_36] : memref<4000x1xi32, #tpu.memory_space<vmem>>, vector<4000x1xi32>
    tpu.vector_store %arg4[%swap3A, %swap3A_36], %select_n3A_35 {strides = array<i32>} : memref<4000x1xi32, #tpu.memory_space<vmem>>, vector<4000x1xi32>,
    return
  }
  func.func @transform_0(%arg0: i32) -> (i32, i32) {
    %c0_i32 = arith.constant 0 : i32
    %c0_i32_0 = arith.constant 0 : i32
    %c0_i32_1 = arith.constant 0 : i32
    return %c0_i32, %c0_i32_0 : i32, i32
  }
  func.func @transform_1(%arg0: i32) -> (i32, i32) {
    %c0_i32 = arith.constant 0 : i32
    %c0_i32_0 = arith.constant 0 : i32
    %c0_i32_1 = arith.constant 0 : i32
    return %c0_i32, %c0_i32_0 : i32, i32
  }
  func.func @transform_2(%arg0: i32) -> (i32, i32) {
    %c0_i32 = arith.constant 0 : i32
    %c0_i32_0 = arith.constant 0 : i32
    %c0_i32_1 = arith.constant 0 : i32
    return %c0_i32, %c0_i32_0 : i32, i32
  }
  func.func @transform_3(%arg0: i32) -> (i32, i32) {
    %c0_i32 = arith.constant 0 : i32
    %c0_i32_0 = arith.constant 0 : i32
    return %arg0, %c0_i32 : i32, i32
  }
}

module attributes {stable_mosaic.version = 14 : i64} {
  func.func @_proj_k_body(%arg0: memref<128x768xf32, #tpu.memory_space<vmem>>, %arg1: memref<768x2048xf32, #tpu.memory_space<vmem>>, %arg2: memref<768x2048xf32, #tpu.memory_space<vmem>>, %arg3: memref<128x2048xf32, #tpu.memory_space<vmem>>) attributes {dimension_semantics = [], scalar_prefetch = 0 : i64, scratch_operands = 0 : i64, tpu.core_type = #tpu.core_type<tc>} {
    %get3A = arith.constant 0 : index
    %get3A_0 = arith.constant 0 : index
    %get3A_1 = vector.load %arg2[%get3A, %get3A_0] : memref<768x2048xf32, #tpu.memory_space<vmem>>, vector<768x2048xf32>
    %mul3A = arith.constant 9.990000e-01 : f32
    %mul3A_2 = vector.broadcast %mul3A : f32 to vector<768x2048xf32>
    %mul3A_3 = arith.mulf %mul3A_2, %get3A_1 : vector<768x2048xf32>
    %get3A_4 = arith.constant 0 : index
    %get3A_5 = arith.constant 0 : index
    %get3A_6 = vector.load %arg1[%get3A_4, %get3A_5] : memref<768x2048xf32, #tpu.memory_space<vmem>>, vector<768x2048xf32>
    %mul3A_7 = arith.constant 1.000000e-03 : f32
    %mul3A_8 = vector.broadcast %mul3A_7 : f32 to vector<768x2048xf32>
    %mul3A_9 = arith.mulf %mul3A_8, %get3A_6 : vector<768x2048xf32>
    %add3A = arith.addf %mul3A_3, %mul3A_9 : vector<768x2048xf32>
    %convert_element_type3A = arith.truncf %add3A : vector<768x2048xf32> to vector<768x2048xbf16>
    %convert_element_type3A_10 = arith.extf %convert_element_type3A : vector<768x2048xbf16> to vector<768x2048xf32>
    %get3A_11 = arith.constant 0 : index
    %get3A_12 = arith.constant 0 : index
    %get3A_13 = vector.load %arg0[%get3A_11, %get3A_12] : memref<128x768xf32, #tpu.memory_space<vmem>>, vector<128x768xf32>
    %dot_general3A = arith.constant dense<0.000000e+00> : vector<128x2048xf32>
    %dot_general3A_14 = tpu.matmul %get3A_13, %convert_element_type3A_10, %dot_general3A {dimension_numbers = #tpu.dot_dimension_numbers<[1], [0], [0], [1], [0, 0, 1, 1], [], []>, precision = #tpu.contract_precision<fp32>, transpose_lhs_hint = false} : vector<128x768xf32>, vector<768x2048xf32>, vector<128x2048xf32> -> vector<128x2048xf32>
    %max3A = arith.constant 0.000000e+00 : f32
    %max3A_15 = vector.broadcast %max3A : f32 to vector<128x2048xf32>
    %max3A_16 = arith.maximumf %dot_general3A_14, %max3A_15 : vector<128x2048xf32>
    %swap3A = arith.constant 0 : index
    %swap3A_17 = arith.constant 0 : index
    %swap3A_18 = vector.load %arg3[%swap3A, %swap3A_17] : memref<128x2048xf32, #tpu.memory_space<vmem>>, vector<128x2048xf32>
    tpu.vector_store %arg3[%swap3A, %swap3A_17], %max3A_16 {strides = array<i32>} : memref<128x2048xf32, #tpu.memory_space<vmem>>, vector<128x2048xf32>,
    return
  }
}

module attributes {stable_mosaic.version = 14 : i64} {
  func.func @_mlp_body(%arg0: i32, %arg1: memref<128x2048xf32, #tpu.memory_space<vmem>>, %arg2: memref<128x2048xf32, #tpu.memory_space<vmem>>, %arg3: memref<2048x256xf32, #tpu.memory_space<vmem>>, %arg4: memref<2048x256xf32, #tpu.memory_space<vmem>>, %arg5: memref<1x256xf32, #tpu.memory_space<vmem>>, %arg6: memref<1x256xf32, #tpu.memory_space<vmem>>, %arg7: memref<1x256xf32, #tpu.memory_space<vmem>>, %arg8: memref<1x256xf32, #tpu.memory_space<vmem>>, %arg9: memref<256x128xf32, #tpu.memory_space<vmem>>, %arg10: memref<256x128xf32, #tpu.memory_space<vmem>>, %arg11: memref<1x128xf32, #tpu.memory_space<vmem>>, %arg12: memref<1x128xf32, #tpu.memory_space<vmem>>, %arg13: memref<128x128xf32, #tpu.memory_space<vmem>>, %arg14: memref<128x128xf32, #tpu.memory_space<vmem>>) attributes {dimension_semantics = [#tpu.dimension_semantics<arbitrary>], iteration_bounds = array<i64: 8>, scalar_prefetch = 0 : i64, scratch_operands = 0 : i64, tpu.core_type = #tpu.core_type<tc>, window_params = [{pipeline_mode = #tpu.pipeline_mode<synchronous>, transform_indices = @transform_0, window_bounds = array<i64: 128, 2048>}, {pipeline_mode = #tpu.pipeline_mode<synchronous>, transform_indices = @transform_1, window_bounds = array<i64: 128, 2048>}, {transform_indices = @transform_2, window_bounds = array<i64: 2048, 256>}, {transform_indices = @transform_3, window_bounds = array<i64: 2048, 256>}, {transform_indices = @transform_4, window_bounds = array<i64: 1, 256>}, {transform_indices = @transform_5, window_bounds = array<i64: 1, 256>}, {transform_indices = @transform_6, window_bounds = array<i64: 1, 256>}, {transform_indices = @transform_7, window_bounds = array<i64: 1, 256>}, {transform_indices = @transform_8, window_bounds = array<i64: 256, 128>}, {transform_indices = @transform_9, window_bounds = array<i64: 256, 128>}, {pipeline_mode = #tpu.pipeline_mode<synchronous>, transform_indices = @transform_10, window_bounds = array<i64: 1, 128>}, {pipeline_mode = #tpu.pipeline_mode<synchronous>, transform_indices = @transform_11, window_bounds = array<i64: 1, 128>}, {pipeline_mode = #tpu.pipeline_mode<synchronous>, transform_indices = @transform_12, window_bounds = array<i64: 128, 128>}, {pipeline_mode = #tpu.pipeline_mode<synchronous>, transform_indices = @transform_13, window_bounds = array<i64: 128, 128>}]} {
    %get3A = arith.constant 0 : index
    %get3A_0 = arith.constant 0 : index
    %get3A_1 = vector.load %arg1[%get3A, %get3A_0] : memref<128x2048xf32, #tpu.memory_space<vmem>>, vector<128x2048xf32>
    %convert_element_type3A = arith.truncf %get3A_1 : vector<128x2048xf32> to vector<128x2048xbf16>
    %get3A_2 = arith.constant 0 : index
    %get3A_3 = arith.constant 0 : index
    %get3A_4 = vector.load %arg2[%get3A_2, %get3A_3] : memref<128x2048xf32, #tpu.memory_space<vmem>>, vector<128x2048xf32>
    %convert_element_type3A_5 = arith.truncf %get3A_4 : vector<128x2048xf32> to vector<128x2048xbf16>
    %get3A_6 = arith.constant 0 : index
    %get3A_7 = arith.constant 0 : index
    %get3A_8 = vector.load %arg3[%get3A_6, %get3A_7] : memref<2048x256xf32, #tpu.memory_space<vmem>>, vector<2048x256xf32>
    %convert_element_type3A_9 = arith.truncf %get3A_8 : vector<2048x256xf32> to vector<2048x256xbf16>
    %get3A_10 = arith.constant 0 : index
    %get3A_11 = arith.constant 0 : index
    %get3A_12 = vector.load %arg4[%get3A_10, %get3A_11] : memref<2048x256xf32, #tpu.memory_space<vmem>>, vector<2048x256xf32>
    %mul3A = arith.constant 9.990000e-01 : f32
    %mul3A_13 = vector.broadcast %mul3A : f32 to vector<2048x256xf32>
    %mul3A_14 = arith.mulf %mul3A_13, %get3A_12 : vector<2048x256xf32>
    %mul3A_15 = arith.constant 1.000000e-03 : f32
    %mul3A_16 = vector.broadcast %mul3A_15 : f32 to vector<2048x256xf32>
    %mul3A_17 = arith.mulf %mul3A_16, %get3A_8 : vector<2048x256xf32>
    %add3A = arith.addf %mul3A_14, %mul3A_17 : vector<2048x256xf32>
    %convert_element_type3A_18 = arith.truncf %add3A : vector<2048x256xf32> to vector<2048x256xbf16>
    %dot_general3A = arith.constant dense<0.000000e+00> : vector<128x256xf32>
    %dot_general3A_19 = tpu.matmul %convert_element_type3A, %convert_element_type3A_9, %dot_general3A {dimension_numbers = #tpu.dot_dimension_numbers<[1], [0], [0], [1], [0, 0, 1, 1], [], []>, transpose_lhs_hint = false} : vector<128x2048xbf16>, vector<2048x256xbf16>, vector<128x256xf32> -> vector<128x256xf32>
    %dot_general3A_20 = arith.constant dense<0.000000e+00> : vector<128x256xf32>
    %dot_general3A_21 = tpu.matmul %convert_element_type3A_5, %convert_element_type3A_18, %dot_general3A_20 {dimension_numbers = #tpu.dot_dimension_numbers<[1], [0], [0], [1], [0, 0, 1, 1], [], []>, transpose_lhs_hint = false} : vector<128x2048xbf16>, vector<2048x256xbf16>, vector<128x256xf32> -> vector<128x256xf32>
    %get3A_22 = arith.constant 0 : index
    %get3A_23 = arith.constant 0 : index
    %get3A_24 = vector.load %arg5[%get3A_22, %get3A_23] : memref<1x256xf32, #tpu.memory_space<vmem>>, vector<1x256xf32>
    %get3A_25 = arith.constant 0 : index
    %get3A_26 = arith.constant 0 : index
    %get3A_27 = vector.load %arg6[%get3A_25, %get3A_26] : memref<1x256xf32, #tpu.memory_space<vmem>>, vector<1x256xf32>
    %get3A_28 = arith.constant 0 : index
    %get3A_29 = arith.constant 0 : index
    %get3A_30 = vector.load %arg7[%get3A_28, %get3A_29] : memref<1x256xf32, #tpu.memory_space<vmem>>, vector<1x256xf32>
    %mul3A_31 = arith.constant 9.990000e-01 : f32
    %mul3A_32 = vector.broadcast %mul3A_31 : f32 to vector<1x256xf32>
    %mul3A_33 = arith.mulf %mul3A_32, %get3A_30 : vector<1x256xf32>
    %mul3A_34 = arith.constant 1.000000e-03 : f32
    %mul3A_35 = vector.broadcast %mul3A_34 : f32 to vector<1x256xf32>
    %mul3A_36 = arith.mulf %mul3A_35, %get3A_24 : vector<1x256xf32>
    %add3A_37 = arith.addf %mul3A_33, %mul3A_36 : vector<1x256xf32>
    %get3A_38 = arith.constant 0 : index
    %get3A_39 = arith.constant 0 : index
    %get3A_40 = vector.load %arg8[%get3A_38, %get3A_39] : memref<1x256xf32, #tpu.memory_space<vmem>>, vector<1x256xf32>
    %mul3A_41 = arith.constant 9.990000e-01 : f32
    %mul3A_42 = vector.broadcast %mul3A_41 : f32 to vector<1x256xf32>
    %mul3A_43 = arith.mulf %mul3A_42, %get3A_40 : vector<1x256xf32>
    %mul3A_44 = arith.constant 1.000000e-03 : f32
    %mul3A_45 = vector.broadcast %mul3A_44 : f32 to vector<1x256xf32>
    %mul3A_46 = arith.mulf %mul3A_45, %get3A_27 : vector<1x256xf32>
    %add3A_47 = arith.addf %mul3A_43, %mul3A_46 : vector<1x256xf32>
    %reduce_sum3A = arith.constant dense<0.000000e+00> : vector<256xf32>
    %reduce_sum3A_48 = vector.multi_reduction <add>, %dot_general3A_19, %reduce_sum3A [0] : vector<128x256xf32> to vector<256xf32>
    %broadcast_in_dim3A = vector.shape_cast %reduce_sum3A_48 : vector<256xf32> to vector<1x256xf32>
    %div3A = arith.constant 1.280000e+02 : f32
    %div3A_49 = vector.broadcast %div3A : f32 to vector<1x256xf32>
    %div3A_50 = arith.divf %broadcast_in_dim3A, %div3A_49 : vector<1x256xf32>
    %sub3A = vector.broadcast %div3A_50 : vector<1x256xf32> to vector<128x256xf32>
    %sub3A_51 = arith.subf %dot_general3A_19, %sub3A : vector<128x256xf32>
    %sub3A_52 = vector.broadcast %div3A_50 : vector<1x256xf32> to vector<128x256xf32>
    %sub3A_53 = arith.subf %dot_general3A_19, %sub3A_52 : vector<128x256xf32>
    %mul3A_54 = arith.mulf %sub3A_51, %sub3A_53 : vector<128x256xf32>
    %reduce_sum3A_55 = arith.constant dense<0.000000e+00> : vector<256xf32>
    %reduce_sum3A_56 = vector.multi_reduction <add>, %mul3A_54, %reduce_sum3A_55 [0] : vector<128x256xf32> to vector<256xf32>
    %broadcast_in_dim3A_57 = vector.shape_cast %reduce_sum3A_56 : vector<256xf32> to vector<1x256xf32>
    %div3A_58 = arith.constant 1.280000e+02 : f32
    %div3A_59 = vector.broadcast %div3A_58 : f32 to vector<1x256xf32>
    %div3A_60 = arith.divf %broadcast_in_dim3A_57, %div3A_59 : vector<1x256xf32>
    %sub3A_61 = vector.broadcast %div3A_50 : vector<1x256xf32> to vector<128x256xf32>
    %sub3A_62 = arith.subf %dot_general3A_19, %sub3A_61 : vector<128x256xf32>
    %mul3A_63 = vector.broadcast %get3A_24 : vector<1x256xf32> to vector<128x256xf32>
    %mul3A_64 = arith.mulf %mul3A_63, %sub3A_62 : vector<128x256xf32>
    %add3A_65 = arith.constant 9.99999974E-6 : f32
    %add3A_66 = vector.broadcast %add3A_65 : f32 to vector<1x256xf32>
    %add3A_67 = arith.addf %div3A_60, %add3A_66 : vector<1x256xf32>
    %sqrt3A = math.sqrt %add3A_67 : vector<1x256xf32>
    %div3A_68 = vector.broadcast %sqrt3A : vector<1x256xf32> to vector<128x256xf32>
    %div3A_69 = arith.divf %mul3A_64, %div3A_68 : vector<128x256xf32>
    %add3A_70 = vector.broadcast %get3A_27 : vector<1x256xf32> to vector<128x256xf32>
    %add3A_71 = arith.addf %div3A_69, %add3A_70 : vector<128x256xf32>
    %max3A = arith.constant 0.000000e+00 : f32
    %max3A_72 = vector.broadcast %max3A : f32 to vector<128x256xf32>
    %max3A_73 = arith.maximumf %add3A_71, %max3A_72 : vector<128x256xf32>
    %reduce_sum3A_74 = arith.constant dense<0.000000e+00> : vector<256xf32>
    %reduce_sum3A_75 = vector.multi_reduction <add>, %dot_general3A_21, %reduce_sum3A_74 [0] : vector<128x256xf32> to vector<256xf32>
    %broadcast_in_dim3A_76 = vector.shape_cast %reduce_sum3A_75 : vector<256xf32> to vector<1x256xf32>
    %div3A_77 = arith.constant 1.280000e+02 : f32
    %div3A_78 = vector.broadcast %div3A_77 : f32 to vector<1x256xf32>
    %div3A_79 = arith.divf %broadcast_in_dim3A_76, %div3A_78 : vector<1x256xf32>
    %sub3A_80 = vector.broadcast %div3A_79 : vector<1x256xf32> to vector<128x256xf32>
    %sub3A_81 = arith.subf %dot_general3A_21, %sub3A_80 : vector<128x256xf32>
    %sub3A_82 = vector.broadcast %div3A_79 : vector<1x256xf32> to vector<128x256xf32>
    %sub3A_83 = arith.subf %dot_general3A_21, %sub3A_82 : vector<128x256xf32>
    %mul3A_84 = arith.mulf %sub3A_81, %sub3A_83 : vector<128x256xf32>
    %reduce_sum3A_85 = arith.constant dense<0.000000e+00> : vector<256xf32>
    %reduce_sum3A_86 = vector.multi_reduction <add>, %mul3A_84, %reduce_sum3A_85 [0] : vector<128x256xf32> to vector<256xf32>
    %broadcast_in_dim3A_87 = vector.shape_cast %reduce_sum3A_86 : vector<256xf32> to vector<1x256xf32>
    %div3A_88 = arith.constant 1.280000e+02 : f32
    %div3A_89 = vector.broadcast %div3A_88 : f32 to vector<1x256xf32>
    %div3A_90 = arith.divf %broadcast_in_dim3A_87, %div3A_89 : vector<1x256xf32>
    %sub3A_91 = vector.broadcast %div3A_79 : vector<1x256xf32> to vector<128x256xf32>
    %sub3A_92 = arith.subf %dot_general3A_21, %sub3A_91 : vector<128x256xf32>
    %mul3A_93 = vector.broadcast %add3A_37 : vector<1x256xf32> to vector<128x256xf32>
    %mul3A_94 = arith.mulf %mul3A_93, %sub3A_92 : vector<128x256xf32>
    %add3A_95 = arith.constant 9.99999974E-6 : f32
    %add3A_96 = vector.broadcast %add3A_95 : f32 to vector<1x256xf32>
    %add3A_97 = arith.addf %div3A_90, %add3A_96 : vector<1x256xf32>
    %sqrt3A_98 = math.sqrt %add3A_97 : vector<1x256xf32>
    %div3A_99 = vector.broadcast %sqrt3A_98 : vector<1x256xf32> to vector<128x256xf32>
    %div3A_100 = arith.divf %mul3A_94, %div3A_99 : vector<128x256xf32>
    %add3A_101 = vector.broadcast %add3A_47 : vector<1x256xf32> to vector<128x256xf32>
    %add3A_102 = arith.addf %div3A_100, %add3A_101 : vector<128x256xf32>
    %max3A_103 = arith.constant 0.000000e+00 : f32
    %max3A_104 = vector.broadcast %max3A_103 : f32 to vector<128x256xf32>
    %max3A_105 = arith.maximumf %add3A_102, %max3A_104 : vector<128x256xf32>
    %get3A_106 = arith.constant 0 : index
    %get3A_107 = arith.constant 0 : index
    %get3A_108 = vector.load %arg9[%get3A_106, %get3A_107] : memref<256x128xf32, #tpu.memory_space<vmem>>, vector<256x128xf32>
    %convert_element_type3A_109 = arith.truncf %get3A_108 : vector<256x128xf32> to vector<256x128xbf16>
    %get3A_110 = arith.constant 0 : index
    %get3A_111 = arith.constant 0 : index
    %get3A_112 = vector.load %arg10[%get3A_110, %get3A_111] : memref<256x128xf32, #tpu.memory_space<vmem>>, vector<256x128xf32>
    %mul3A_113 = arith.constant 9.990000e-01 : f32
    %mul3A_114 = vector.broadcast %mul3A_113 : f32 to vector<256x128xf32>
    %mul3A_115 = arith.mulf %mul3A_114, %get3A_112 : vector<256x128xf32>
    %mul3A_116 = arith.constant 1.000000e-03 : f32
    %mul3A_117 = vector.broadcast %mul3A_116 : f32 to vector<256x128xf32>
    %mul3A_118 = arith.mulf %mul3A_117, %get3A_108 : vector<256x128xf32>
    %add3A_119 = arith.addf %mul3A_115, %mul3A_118 : vector<256x128xf32>
    %convert_element_type3A_120 = arith.truncf %add3A_119 : vector<256x128xf32> to vector<256x128xbf16>
    %convert_element_type3A_121 = arith.truncf %max3A_73 : vector<128x256xf32> to vector<128x256xbf16>
    %dot_general3A_122 = arith.constant dense<0.000000e+00> : vector<128x128xf32>
    %dot_general3A_123 = tpu.matmul %convert_element_type3A_121, %convert_element_type3A_109, %dot_general3A_122 {dimension_numbers = #tpu.dot_dimension_numbers<[1], [0], [0], [1], [0, 0, 1, 1], [], []>, transpose_lhs_hint = false} : vector<128x256xbf16>, vector<256x128xbf16>, vector<128x128xf32> -> vector<128x128xf32>
    %convert_element_type3A_124 = arith.truncf %max3A_105 : vector<128x256xf32> to vector<128x256xbf16>
    %dot_general3A_125 = arith.constant dense<0.000000e+00> : vector<128x128xf32>
    %dot_general3A_126 = tpu.matmul %convert_element_type3A_124, %convert_element_type3A_120, %dot_general3A_125 {dimension_numbers = #tpu.dot_dimension_numbers<[1], [0], [0], [1], [0, 0, 1, 1], [], []>, transpose_lhs_hint = false} : vector<128x256xbf16>, vector<256x128xbf16>, vector<128x128xf32> -> vector<128x128xf32>
    %eq3A = arith.constant 0 : i32
    %eq3A_127 = arith.cmpi eq, %arg0, %eq3A : i32
    %convert_element_type3A_128 = arith.extui %eq3A_127 : i1 to i32
    %cond3A = arith.constant 0 : i32
    %cond3A_129 = arith.cmpi ne, %convert_element_type3A_128, %cond3A : i32
    scf.if %cond3A_129 {
      %get3A_139 = arith.constant 0 : index
      %get3A_140 = arith.constant 0 : index
      %get3A_141 = vector.load %arg11[%get3A_139, %get3A_140] : memref<1x128xf32, #tpu.memory_space<vmem>>, vector<1x128xf32>
      %add3A_142 = vector.broadcast %get3A_141 : vector<1x128xf32> to vector<128x128xf32>
      %add3A_143 = arith.addf %dot_general3A_123, %add3A_142 : vector<128x128xf32>
      %swap3A = arith.constant 0 : index
      %swap3A_144 = arith.constant 0 : index
      %swap3A_145 = vector.load %arg13[%swap3A, %swap3A_144] : memref<128x128xf32, #tpu.memory_space<vmem>>, vector<128x128xf32>
      tpu.vector_store %arg13[%swap3A, %swap3A_144], %add3A_143 {strides = array<i32>} : memref<128x128xf32, #tpu.memory_space<vmem>>, vector<128x128xf32>,
      %get3A_146 = arith.constant 0 : index
      %get3A_147 = arith.constant 0 : index
      %get3A_148 = vector.load %arg12[%get3A_146, %get3A_147] : memref<1x128xf32, #tpu.memory_space<vmem>>, vector<1x128xf32>
      %mul3A_149 = arith.constant 9.990000e-01 : f32
      %mul3A_150 = vector.broadcast %mul3A_149 : f32 to vector<1x128xf32>
      %mul3A_151 = arith.mulf %mul3A_150, %get3A_148 : vector<1x128xf32>
      %get3A_152 = arith.constant 0 : index
      %get3A_153 = arith.constant 0 : index
      %get3A_154 = vector.load %arg11[%get3A_152, %get3A_153] : memref<1x128xf32, #tpu.memory_space<vmem>>, vector<1x128xf32>
      %mul3A_155 = arith.constant 1.000000e-03 : f32
      %mul3A_156 = vector.broadcast %mul3A_155 : f32 to vector<1x128xf32>
      %mul3A_157 = arith.mulf %mul3A_156, %get3A_154 : vector<1x128xf32>
      %add3A_158 = arith.addf %mul3A_151, %mul3A_157 : vector<1x128xf32>
      %add3A_159 = vector.broadcast %add3A_158 : vector<1x128xf32> to vector<128x128xf32>
      %add3A_160 = arith.addf %dot_general3A_126, %add3A_159 : vector<128x128xf32>
      %swap3A_161 = arith.constant 0 : index
      %swap3A_162 = arith.constant 0 : index
      %swap3A_163 = vector.load %arg14[%swap3A_161, %swap3A_162] : memref<128x128xf32, #tpu.memory_space<vmem>>, vector<128x128xf32>
      tpu.vector_store %arg14[%swap3A_161, %swap3A_162], %add3A_160 {strides = array<i32>} : memref<128x128xf32, #tpu.memory_space<vmem>>, vector<128x128xf32>,
    } else {
    }
    %gt3A = arith.constant 0 : i32
    %gt3A_130 = arith.cmpi sgt, %arg0, %gt3A : i32
    %convert_element_type3A_131 = arith.extui %gt3A_130 : i1 to i32
    %cond3A_132 = arith.constant 0 : i32
    %cond3A_133 = arith.cmpi ne, %convert_element_type3A_131, %cond3A_132 : i32
    scf.if %cond3A_133 {
      %get3A_139 = arith.constant 0 : index
      %get3A_140 = arith.constant 0 : index
      %get3A_141 = vector.load %arg13[%get3A_139, %get3A_140] : memref<128x128xf32, #tpu.memory_space<vmem>>, vector<128x128xf32>
      %add3A_142 = arith.addf %get3A_141, %dot_general3A_123 : vector<128x128xf32>
      %swap3A = arith.constant 0 : index
      %swap3A_143 = arith.constant 0 : index
      %swap3A_144 = vector.load %arg13[%swap3A, %swap3A_143] : memref<128x128xf32, #tpu.memory_space<vmem>>, vector<128x128xf32>
      tpu.vector_store %arg13[%swap3A, %swap3A_143], %add3A_142 {strides = array<i32>} : memref<128x128xf32, #tpu.memory_space<vmem>>, vector<128x128xf32>,
      %get3A_145 = arith.constant 0 : index
      %get3A_146 = arith.constant 0 : index
      %get3A_147 = vector.load %arg14[%get3A_145, %get3A_146] : memref<128x128xf32, #tpu.memory_space<vmem>>, vector<128x128xf32>
      %add3A_148 = arith.addf %get3A_147, %dot_general3A_126 : vector<128x128xf32>
      %swap3A_149 = arith.constant 0 : index
      %swap3A_150 = arith.constant 0 : index
      %swap3A_151 = vector.load %arg14[%swap3A_149, %swap3A_150] : memref<128x128xf32, #tpu.memory_space<vmem>>, vector<128x128xf32>
      tpu.vector_store %arg14[%swap3A_149, %swap3A_150], %add3A_148 {strides = array<i32>} : memref<128x128xf32, #tpu.memory_space<vmem>>, vector<128x128xf32>,
    } else {
    }
    %eq3A_134 = arith.constant 7 : i32
    %eq3A_135 = arith.cmpi eq, %arg0, %eq3A_134 : i32
    %convert_element_type3A_136 = arith.extui %eq3A_135 : i1 to i32
    %cond3A_137 = arith.constant 0 : i32
    %cond3A_138 = arith.cmpi ne, %convert_element_type3A_136, %cond3A_137 : i32
    scf.if %cond3A_138 {
      %get3A_139 = arith.constant 0 : index
      %get3A_140 = arith.constant 0 : index
      %get3A_141 = vector.load %arg13[%get3A_139, %get3A_140] : memref<128x128xf32, #tpu.memory_space<vmem>>, vector<128x128xf32>
      %mul3A_142 = arith.mulf %get3A_141, %get3A_141 : vector<128x128xf32>
      %reduce_sum3A_143 = arith.constant dense<0.000000e+00> : vector<128xf32>
      %reduce_sum3A_144 = vector.multi_reduction <add>, %mul3A_142, %reduce_sum3A_143 [1] : vector<128x128xf32> to vector<128xf32>
      %broadcast_in_dim3A_145 = vector.shape_cast %reduce_sum3A_144 : vector<128xf32> to vector<128x1xf32>
      %sqrt3A_146 = math.sqrt %broadcast_in_dim3A_145 : vector<128x1xf32>
      %max3A_147 = arith.constant 9.99999996E-13 : f32
      %max3A_148 = vector.broadcast %max3A_147 : f32 to vector<128x1xf32>
      %max3A_149 = arith.maximumf %sqrt3A_146, %max3A_148 : vector<128x1xf32>
      %div3A_150 = vector.broadcast %max3A_149 : vector<128x1xf32> to vector<128x128xf32>
      %div3A_151 = arith.divf %get3A_141, %div3A_150 : vector<128x128xf32>
      %swap3A = arith.constant 0 : index
      %swap3A_152 = arith.constant 0 : index
      %swap3A_153 = vector.load %arg13[%swap3A, %swap3A_152] : memref<128x128xf32, #tpu.memory_space<vmem>>, vector<128x128xf32>
      tpu.vector_store %arg13[%swap3A, %swap3A_152], %div3A_151 {strides = array<i32>} : memref<128x128xf32, #tpu.memory_space<vmem>>, vector<128x128xf32>,
      %get3A_154 = arith.constant 0 : index
      %get3A_155 = arith.constant 0 : index
      %get3A_156 = vector.load %arg14[%get3A_154, %get3A_155] : memref<128x128xf32, #tpu.memory_space<vmem>>, vector<128x128xf32>
      %mul3A_157 = arith.mulf %get3A_156, %get3A_156 : vector<128x128xf32>
      %reduce_sum3A_158 = arith.constant dense<0.000000e+00> : vector<128xf32>
      %reduce_sum3A_159 = vector.multi_reduction <add>, %mul3A_157, %reduce_sum3A_158 [1] : vector<128x128xf32> to vector<128xf32>
      %broadcast_in_dim3A_160 = vector.shape_cast %reduce_sum3A_159 : vector<128xf32> to vector<128x1xf32>
      %sqrt3A_161 = math.sqrt %broadcast_in_dim3A_160 : vector<128x1xf32>
      %max3A_162 = arith.constant 9.99999996E-13 : f32
      %max3A_163 = vector.broadcast %max3A_162 : f32 to vector<128x1xf32>
      %max3A_164 = arith.maximumf %sqrt3A_161, %max3A_163 : vector<128x1xf32>
      %div3A_165 = vector.broadcast %max3A_164 : vector<128x1xf32> to vector<128x128xf32>
      %div3A_166 = arith.divf %get3A_156, %div3A_165 : vector<128x128xf32>
      %swap3A_167 = arith.constant 0 : index
      %swap3A_168 = arith.constant 0 : index
      %swap3A_169 = vector.load %arg14[%swap3A_167, %swap3A_168] : memref<128x128xf32, #tpu.memory_space<vmem>>, vector<128x128xf32>
      tpu.vector_store %arg14[%swap3A_167, %swap3A_168], %div3A_166 {strides = array<i32>} : memref<128x128xf32, #tpu.memory_space<vmem>>, vector<128x128xf32>,
    } else {
    }
    return
  }
  func.func @transform_0(%arg0: i32) -> (i32, i32) {
    %c0_i32 = arith.constant 0 : i32
    %c0_i32_0 = arith.constant 0 : i32
    %c0_i32_1 = arith.constant 0 : i32
    return %c0_i32, %c0_i32_0 : i32, i32
  }
  func.func @transform_1(%arg0: i32) -> (i32, i32) {
    %c0_i32 = arith.constant 0 : i32
    %c0_i32_0 = arith.constant 0 : i32
    %c0_i32_1 = arith.constant 0 : i32
    return %c0_i32, %c0_i32_0 : i32, i32
  }
  func.func @transform_2(%arg0: i32) -> (i32, i32) {
    %c0_i32 = arith.constant 0 : i32
    %c0_i32_0 = arith.constant 0 : i32
    return %c0_i32, %arg0 : i32, i32
  }
  func.func @transform_3(%arg0: i32) -> (i32, i32) {
    %c0_i32 = arith.constant 0 : i32
    %c0_i32_0 = arith.constant 0 : i32
    return %c0_i32, %arg0 : i32, i32
  }
  func.func @transform_4(%arg0: i32) -> (i32, i32) {
    %c0_i32 = arith.constant 0 : i32
    %c0_i32_0 = arith.constant 0 : i32
    return %c0_i32, %arg0 : i32, i32
  }
  func.func @transform_5(%arg0: i32) -> (i32, i32) {
    %c0_i32 = arith.constant 0 : i32
    %c0_i32_0 = arith.constant 0 : i32
    return %c0_i32, %arg0 : i32, i32
  }
  func.func @transform_6(%arg0: i32) -> (i32, i32) {
    %c0_i32 = arith.constant 0 : i32
    %c0_i32_0 = arith.constant 0 : i32
    return %c0_i32, %arg0 : i32, i32
  }
  func.func @transform_7(%arg0: i32) -> (i32, i32) {
    %c0_i32 = arith.constant 0 : i32
    %c0_i32_0 = arith.constant 0 : i32
    return %c0_i32, %arg0 : i32, i32
  }
  func.func @transform_8(%arg0: i32) -> (i32, i32) {
    %c0_i32 = arith.constant 0 : i32
    %c0_i32_0 = arith.constant 0 : i32
    return %arg0, %c0_i32 : i32, i32
  }
  func.func @transform_9(%arg0: i32) -> (i32, i32) {
    %c0_i32 = arith.constant 0 : i32
    %c0_i32_0 = arith.constant 0 : i32
    return %arg0, %c0_i32 : i32, i32
  }
  func.func @transform_10(%arg0: i32) -> (i32, i32) {
    %c0_i32 = arith.constant 0 : i32
    %c0_i32_0 = arith.constant 0 : i32
    %c0_i32_1 = arith.constant 0 : i32
    return %c0_i32, %c0_i32_0 : i32, i32
  }
  func.func @transform_11(%arg0: i32) -> (i32, i32) {
    %c0_i32 = arith.constant 0 : i32
    %c0_i32_0 = arith.constant 0 : i32
    %c0_i32_1 = arith.constant 0 : i32
    return %c0_i32, %c0_i32_0 : i32, i32
  }
  func.func @transform_12(%arg0: i32) -> (i32, i32) {
    %c0_i32 = arith.constant 0 : i32
    %c0_i32_0 = arith.constant 0 : i32
    %c0_i32_1 = arith.constant 0 : i32
    return %c0_i32, %c0_i32_0 : i32, i32
  }
  func.func @transform_13(%arg0: i32) -> (i32, i32) {
    %c0_i32 = arith.constant 0 : i32
    %c0_i32_0 = arith.constant 0 : i32
    %c0_i32_1 = arith.constant 0 : i32
    return %c0_i32, %c0_i32_0 : i32, i32
  }
}

</mosaic_0001>

<sc_bundles>
// kernel: kernel.10.cloned.1.call-start
scs
__scs_entry_jumppad:
0x0: {  	(pc) =	sbr.rel $0x88, $3  }
0x1: {  	(tag) =	ssettag $0x0;
	lr =	simm.s32 $0x1  }
0x2: {  	[smem:$0x3F8C] =	sst lr;
	_ =	strace $0xD0000000  }
0x3: {  	_ = 	snop  }
0x4: {  	_ = 	snop  }
0x5: {  	_ = 	snop  }
0x6: {  	_ = 	snop  }
0x7: {  	_ = 	snop  }
__scs_overlays_trampoline_lowered:
0x8: {  	[smem:$0x3F9B] =	sst s0  }
0x9: {  	[smem:$0x3F9C] =	sst s1  }
0xa: {  	[smem:$0x3F9D] =	sst s2  }
0xb: {  	[smem:$0x3F9E] =	sst s3  }
0xc: {  	[smem:$0x3F9F] =	sst s4  }
0xd: {  	[smem:$0x3FA0] =	sst s5  }
0xe: {  	[smem:$0x3FA1] =	sst s6  }
0xf: {  	[smem:$0x3FA2] =	sst s7  }
0x10: {  	[smem:$0x3FA3] =	sst s8  }
0x11: {  	[smem:$0x3FA4] =	sst s9;
	s0 =	simm.s32 @!p0 $0x0  }
0x12: {  	s1 =	sld [smem:$0x3F8A];
	s0 =	simm.s32 @p0 $0x1  }
0x13: {  	[smem:$0x3FA5] =	sst s0;
	s0 =	simm.s32 @!p1 $0x0  }
0x14: {  	s2 =	sld [smem:$0x3F89];
	s0 =	simm.s32 @p1 $0x1  }
0x15: {  	[smem:$0x3FA6] =	sst s0;
	s0 =	simm.s32 @!p2 $0x0  }
0x16: {  	s3 =	sld [smem:$0x3FDB];
	s0 =	simm.s32 @p2 $0x1  }
0x17: {  	s4 =	simm.s32 $0x1BF5;
	[smem:$0x3FA8] =	sst s0  }
0x18: {  	s0 =	sld [smem:$0x3F8B];
	_ =	swait.ge [sflag:s4], $0x0  }
0x19: {  	s7 =	sld [smem:$0x3F8C]  }
0x1a: {  	s8 =	sadd.s32 $0xFFFFE003, lr  }
0x1b: {  	s9 =	sadd.s32 $0xFFFFFEF7, lr;
	s5 =	simm.s32 $0xFFFFFFFF;
	p2 =	slt.u32 s8, $0xFFFFF086  }
0x1c: {  	p1 =	slt.u32 s9, $0xF7A;
	s5 =	simm.s32 @!p2 $0x0  }
0x1d: {  	s5 =	simm.s32 @p1 $0x1;
	p0 =	seq.s32 s7, s2  }
0x1e: {  	s7 =	smul.u32 @!p0 $0xF7A, s2;
	p2 =	seq.s32 @!p0 s5, $0x0  }
0x1f: {  	s9 =	smul.u32 $0xF7A, s1;
	s8 =	simm.s32 @!p0 $0x1BF5;
	p2 =	por !p2, p0  }
0x20: {  	[sflag:s8] =	ssyncset.s32 @!p0 $0xFFFFF086;
	s6 =	sadd.s32 @!p0 s3, s7;
	s7 =	simm.s32 @!p0 $0x108  }
0x21: {  	s3 =	sadd.s32 s3, s9;
	s6 =	sadd.s32 @!p0 $0x88, s6;
	s7 =	simm.s32 @p2 $0x1082  }
0x22: {  	[simem:s7], [sflag:s8] =	dma.local @!p0 [hbm:s6], $0xF7A  }
0x23: {  	s9 =	sor.u32 $0xD0000000, s2;
	s6 =	simm.s32 $0x108;
	_ =	swait.ge @!p0 [sflag:s8], $0x0  }
0x24: {  	s3 =	sadd.s32 $0x88, s3;
	s6 =	simm.s32 @!p1 $0x1082;
	[sflag:s4] =	ssyncset.s32 $0xFFFFF086  }
0x25: {  	[simem:s6], [sflag:s4] =	dma.local [hbm:s3], $0xF7A  }
0x26: {  	[smem:$0x3F8C] =	sst s1;
	(tag) =	ssettag s2;
	_ =	strace s9  }
0x27: {  	s1 =	sld [smem:$0x3F9C]  }
0x28: {  	s2 =	sld [smem:$0x3F9D]  }
0x29: {  	s4 =	sld [smem:$0x3F9F]  }
0x2a: {  	p0 =	seq.s32 s5, $0x0;
	s5 =	sld [smem:$0x3FA0]  }
0x2b: {  	s6 =	sld [smem:$0x3FA1]  }
0x2c: {  	s7 =	sld [smem:$0x3FA2]  }
0x2d: {  	s3 =	simm.s32 $0x108;
	s8 =	sld [smem:$0x3FA3]  }
0x2e: {  	s3 =	simm.s32 @!p0 $0x1082;
	s9 =	sld [smem:$0x3FA4]  }
0x2f: {  	lr =	sadd.s32 s0, s3;
	s0 =	sld [smem:$0x3F9B]  }
0x30: {  	s3 =	sld [smem:$0x3F9E]  }
0x31: {  	[smem:$0x3FA7] =	sst s10  }
0x32: {  	s10 =	sld [smem:$0x3FA5];
	_ =	sdelay $0x3  }
0x33: {  	p0 =	seq.s32 s10, $0x1;
	s10 =	sld [smem:$0x3FA7];
	_ =	sdelay $0x3  }
0x34: {  	[smem:$0x3FA7] =	sst s10  }
0x35: {  	s10 =	sld [smem:$0x3FA6];
	_ =	sdelay $0x3  }
0x36: {  	p1 =	seq.s32 s10, $0x1;
	s10 =	sld [smem:$0x3FA7];
	_ =	sdelay $0x3  }
0x37: {  	[smem:$0x3FA7] =	sst s10  }
0x38: {  	s10 =	sld [smem:$0x3FA8]  }
0x39: {  	_ = 	snop;
	(pc) =	sbr.ind lr, $3  }
0x3a: {  	_ = 	snop  }
0x3b: {  	_ = 	snop  }
0x3c: {  	p2 =	seq.s32 s10, $0x1;
	s10 =	sld [smem:$0x3FA7]  }
0x3d: {  	_ =	shalt  }
0x3e: {  	_ =	shalt  }
0x3f: {  	_ =	shalt  }
0x40: {  	_ =	shalt  }
0x41: {  	_ =	shalt  }
0x42: {  	_ =	shalt  }
0x43: {  	_ =	shalt  }
0x44: {  	_ =	shalt  }
0x45: {  	_ =	shalt  }
0x46: {  	_ =	shalt  }
0x47: {  	_ =	shalt  }
0x48: {  	_ =	shalt  }
0x49: {  	_ =	shalt  }
0x4a: {  	_ =	shalt  }
0x4b: {  	_ =	shalt  }
0x4c: {  	_ =	shalt  }
0x4d: {  	_ =	shalt  }
0x4e: {  	_ =	shalt  }
0x4f: {  	_ =	shalt  }
0x50: {  	_ =	shalt  }
0x51: {  	_ =	shalt  }
0x52: {  	_ =	shalt  }
0x53: {  	_ =	shalt  }
0x54: {  	_ =	shalt  }
0x55: {  	_ =	shalt  }
0x56: {  	_ =	shalt  }
0x57: {  	_ =	shalt  }
0x58: {  	_ =	shalt  }
0x59: {  	_ =	shalt  }
0x5a: {  	_ =	shalt  }
0x5b: {  	_ =	shalt  }
0x5c: {  	_ =	shalt  }
0x5d: {  	_ =	shalt  }
0x5e: {  	_ =	shalt  }
0x5f: {  	_ =	shalt  }
0x60: {  	_ =	shalt  }
0x61: {  	_ =	shalt  }
0x62: {  	_ =	shalt  }
0x63: {  	_ =	shalt  }
0x64: {  	_ =	shalt  }
0x65: {  	_ =	shalt  }
0x66: {  	_ =	shalt  }
0x67: {  	_ =	shalt  }
0x68: {  	_ =	shalt  }
0x69: {  	_ =	shalt  }
0x6a: {  	_ =	shalt  }
0x6b: {  	_ =	shalt  }
0x6c: {  	_ =	shalt  }
0x6d: {  	_ =	shalt  }
0x6e: {  	_ =	shalt  }
0x6f: {  	_ =	shalt  }
0x70: {  	_ =	shalt  }
0x71: {  	_ =	shalt  }
0x72: {  	_ =	shalt  }
0x73: {  	_ =	shalt  }
0x74: {  	_ =	shalt  }
0x75: {  	_ =	shalt  }
0x76: {  	_ =	shalt  }
0x77: {  	_ =	shalt  }
0x78: {  	_ =	shalt  }
0x79: {  	_ =	shalt  }
0x7a: {  	_ =	shalt  }
0x7b: {  	_ =	shalt  }
0x7c: {  	_ =	shalt  }
0x7d: {  	_ =	shalt  }
0x7e: {  	_ =	shalt  }
0x7f: {  	_ =	shalt  }
0x80: {  	_ =	shalt  }
0x81: {  	_ =	shalt  }
0x82: {  	_ =	shalt  }
0x83: {  	_ =	shalt  }
0x84: {  	_ =	shalt  }
0x85: {  	_ =	shalt  }
0x86: {  	_ =	shalt  }
0x87: {  	_ =	shalt  }
.Lfunc_end0:
.L_simem_size_0:
called_computation_lowered:
.L_overlay_start_0:
0x88: {  	s2 =	sld [smem:$0x3FD9]  }
0x89: {  	s3 =	sld [smem:$0x3FFE];
	_ =	sdelay $0x1  }
0x8a: {  	s1 =	srdreg.scid  }
0x8b: {  	s0 =	sand.u32 $0x1, s1  }
0x8c: {  	s14 =	sshll.u32 s0, $0xA;
	s2 =	sadd.s32 s3, s2  }
0x8d: {  	s2 =	sadd.s32 s2, s14  }
0x8e: {  	[smem:$0x3FB3] =	sst s2  }
0x8f: {  	_ = 	snop  }
0x90: {  	s2 =	sld [smem:$0x3FD0];
	_ =	sdelay $0x2  }
0x91: {  	s15 =	simm.s32 $0xA;
	s4 =	simm.s32 $0x10  }
0x92: {  	[smem:s4], [sflag:s15] =	dma.local [hbm:s2], $0x1  }
0x93: {  	_ =	swait.eq [sflag:s15], $0x1  }
0x94: {  	[sflag:s15] =	ssyncset.done $0x0  }
0x95: {  	s16 =	sld [smem:$0x12];
	[sflag:s15] =	ssyncadd.s32 $0xFFFFFFFF  }
0x96: {  	s17 =	sld [smem:$0x15];
	(tm) =	ssettm $0x1  }
0x97: {  	s18 =	sld [smem:$0x3FFB];
	_ =	sdelay $0x3  }
0x98: {  	_ =	strace s18  }
0x99: {  	s4 =	sld [smem:$0x3FFC];
	_ =	sdelay $0x3  }
0x9a: {  	_ =	strace s4  }
0x9b: {  	s4 =	sld [smem:$0x3FFD];
	_ =	sdelay $0x3  }
0x9c: {  	_ =	strace s4  }
0x9d: {  	_ =	strace $0x8FFFFFFF  }
0x9e: {  	s19 =	sld [smem:$0x3FDB];
	_ =	sdelay $0x1  }
0x9f: {  	s5 =	simm.s32 $_scs_section_size  }
0xa0: {  	s6 =	simm.s32 $_size__tile_overlayer_lowered;
	s7 =	simm.s32 $_tile_overlayer_lowered  }
0xa1: {  	s22 =	simm.s32 $0x1BFF;
	s21 =	sshll.u32 s7, $0x1;
	s4 =	sadd.s32 s5, s19  }
0xa2: {  	s8 =	simm.s32 $0x0;
	s20 =	sshll.u32 s6, $0x1;
	s6 =	sadd.s32 s21, s4  }
0xa3: {  	[timem:s8], [sflag:s22] =	dma.local [hbm:s6], s20  }
0xa4: {  	_ =	swait.ge [sflag:s22], s20  }
0xa5: {  	s5 =	ssub.s32 $0x0, s20;
	[sflag:s22] =	ssyncset.done $0x0  }
0xa6: {  	[sflag:s22] =	ssyncadd.s32 s5;
	_ =	sdelay $0x1  }
0xa7: {  	s23 =	simm.s32 $0x1B8B  }
0xa8: {  	_ =	swait.ge [sflag:s23], $0x1  }
0xa9: {  	[sflag:s23] =	ssyncset.done $0x0  }
0xaa: {  	s25 =	simm.s32 $0x1B8E;
	s24 =	sld [smem:$0x3FFE];
	[sflag:s23] =	ssyncadd.s32 $0xFFFFFFFF  }
0xab: {  	s26 =	simm.s32 $execute0_lowered;
	[smem:$0x3FD2] =	sst s25  }
0xac: {  	s6 =	sshll.u32 s26, $0x1;
	_ =	strace $0x80000046;
	[dreg:$0x1] =	wrdreg $0xFFFFFFFF  }
0xad: {  	s28 =	simm.s32 $_size_execute0_lowered;
	s4 =	sadd.s32 s4, s6;
	[dreg:$0x0] =	wrdreg $0x0  }
0xae: {  	s6 =	sshll.u32 s28, $0x1;
	[dreg:$0x2] =	wrdreg s4  }
0xaf: {  	[dreg:$0x3] =	wrdreg s6  }
0xb0: {  	[dreg:$0x4] =	wrdreg $0xC0  }
0xb1: {  	_ =	task [dreg:s8], $0x5FFFF  }
0xb2: {  	[dreg:$0x1] =	wrdreg $0xFFFFFFFF  }
0xb3: {  	[dreg:$0x0] =	wrdreg $0x60  }
0xb4: {  	[dreg:$0x2] =	wrdreg s24  }
0xb5: {  	[dreg:$0x3] =	wrdreg s17  }
0xb6: {  	[dreg:$0x4] =	wrdreg s16  }
0xb7: {  	[dreg:$0x5] =	wrdreg $0x9  }
0xb8: {  	_ =	task.clear_ibuf [dreg:s8], $0x6FFFF;
	_ =	strace $0x90000046  }
0xb9: {  	s29 =	simm.s32 $0x9;
	_ =	strace $0x80000048  }
0xba: {  	_ =	swait.ge [sflag:s29], $0x1  }
0xbb: {  	[sflag:s29] =	ssyncadd.s32 $0xFFFFFFFF  }
0xbc: {  	_ =	strace $0x90000048  }
0xbd: {  	_ =	sfence  }
0xbe: {  	s30 =	sld [smem:$0x0];
	_ =	sdelay $0x2  }
0xbf: {  	s31 =	sshll.u32 s1, $0xD;
	s1 =	sshrl.u32 s1, $0x2  }
0xc0: {  	s3 =	sand.u32 $0x4000, s31;
	s1 =	sadd.s32 s1, s30  }
0xc1: {  	s0 =	sor.u32 s3, s0;
	s1 =	sshll.u32 s1, $0x11  }
0xc2: {  	s0 =	sor.u32 s1, s0  }
0xc3: {  	s0 =	sadd.s32 $0x8F2B, s0  }
0xc4: {  	[sflag:s0] =	ssyncadd.remote.s32 $0x1  }
0xc5: {  	_ =	sfence.sel $0xFFFF  }
0xc6: {  	[dreg:$0x0] =	wrdreg $0xFFFFFFFF;
	(pc) =	sbr.abs _section_cstart, $3  }
0xc7: {  	[dreg:$0x1] =	wrdreg $0xFFFFFFFF  }
0xc8: {  	_ =	task.clear_ibuf [dreg:s8], $0x2FFFF;
	_ =	strace $0x9FFFFFFF  }
0xc9: {  	(tm) =	ssettm $0x7FFFFFFF  }
tec
execute0_lowered:
.L_overlay_start_1:
0x0: {  	(tag) =	ssettag $0x1  }
0x1: {  	s1 =	srdreg.scid;
	s0 =	stileid.u32  }
0x2: {  	s5 =	sand.u32 $0x1, s1;
	s6 =	sshll.u32 s0, $0x1  }
0x3: {  	s8 =	sor.u32 s5, s6;
	s5 =	ssub.s32 $0x2, s5  }
0x4: {  	s2 =	rddreg [dreg:$0x0];
	s9 =	sshrl.u32 s5, $0x1  }
0x5: {  	s3 =	rddreg [dreg:$0x1];
	s9 =	ssub.s32 s5, s9  }
0x6: {  	s4 =	rddreg [dreg:$0x2];
	s31 =	smax.u32 s9, $0x1  }
0x7: {  	s7 =	simm.s32 $0x0;
	s1 =	rddreg [dreg:$0x3];
	s18 =	sadd.s32 $0xFFFFFFFF, s31  }
0x8: {  	p2 =	por $0x0, $0x0;
	[smem:$0x7FF] =	sst s7;
	p3 =	sne.s32 s18, $0x0  }
.Ltmp0:
0x9: {  	p1 =	sgt.u32 s0, $0x7;
	_ =	strace $0x80000047;
	(pc) =	sbr.rel @!p3 .LBB2_3-.Ltmp0, $4  }
0xa: {  	s6 =	smul.u32 $0x50, s8;
	s29 =	sshll.u32 s8, $0x4;
	s30 =	sshll.u32 s8, $0x7  }
0xb: {  	s10 =	smul.u32 $0x2800, s8;
	p0 =	sgt.u32 s8, $0x18;
	s5 =	sadd.s32 s4, s30  }
0xc: {  	s28 =	sadd.s32 s6, s2;
	s6 =	sadd.s32 s29, s2;
	s2 =	sadd.s32 $0xD800, s2  }
0xd: {  	s3 =	sadd.s32 s3, s10;
	s6 =	sadd.s32 $0xD600, s6;
	s4 =	sadd.s32 $0xCE00, s28  }
0xe: {  	s7 =	simm.s32 @!p1 $0x0;
	s8 =	simm.s32 @!p1 $0x3  }
0xf: {  	[tilespmem:s7], [sflag:$0x3] =	stream.linear.gather @!p1 [hbm4b:s6+s7], $0x80, $0x38;
	[tilespmem:$0x14700] =	vst v63  }
0x10: {  	_ =	swait.ge @!p1 [sflag:s8], $0x80  }
0x11: {  	s9 =	simm.s32 @!p1 $0x1;
	[sflag:s8] =	ssyncset.done @!p1 $0x0  }
0x12: {  	s11 =	simm.s32 @!p1 $0x8;
	s12 =	simm.s32 @!p1 $0x80;
	[sflag:s8] =	ssyncadd.s32 @!p1 $0xFFFFFF80  }
0x13: {  	[tilespmem:s12], [sflag:$0x1] =	stream.indirect.gather @!p1 [hbm4b:s2+s11], $0x80, s7, s11, $0xb8;
	[tilespmem:$0x14700] =	vst v63  }
0x14: {  	_ =	swait.ge @!p1 [sflag:s9], $0x400  }
0x15: {  	[sflag:s9] =	ssyncset.done @!p1 $0x0  }
0x16: {  	[sflag:s9] =	ssyncadd.s32 @!p1 $0xFFFFFC00  }
0x17: {  	[hbm4b:s5+s7] =	stream.linear.scatter @!p1 [tilespmem:s12], [sflag:$0x3], $0x400, $0x38;
	[tilespmem:$0x14700] =	vst v63  }
0x18: {  	_ =	swait.ge @!p1 [sflag:s8], $0x400  }
0x19: {  	s10 =	simm.s32 @!p0 $0x3;
	[sflag:s8] =	ssyncset.done @!p1 $0x0  }
0x1a: {  	s13 =	simm.s32 @!p0 $0x0;
	s14 =	simm.s32 @!p0 $0x480;
	[sflag:s8] =	ssyncadd.s32 @!p1 $0xFFFFFC00  }
0x1b: {  	[tilespmem:s14], [sflag:$0x3] =	stream.linear.gather @!p0 [hbm4b:s4+s13], $0x280, $0x38;
	[tilespmem:$0x14700] =	vst v63  }
0x1c: {  	_ =	swait.ge @!p0 [sflag:s10], $0x280  }
0x1d: {  	s15 =	simm.s32 @!p0 $0x2;
	s16 =	simm.s32 @!p0 $0x280;
	[sflag:s10] =	ssyncset.done @!p0 $0x0  }
0x1e: {  	s17 =	simm.s32 @!p0 $0x700;
	s18 =	sadd.s32 $0xFFFFFFFF, s18;
	[sflag:s10] =	ssyncadd.s32 @!p0 $0xFFFFFD80  }
0x1f: {  	[tilespmem:s17], [sflag:$0x2] =	stream.indirect.gather @!p0 [hbm4b:s2+s16], $0x80, s14, s16, $0xb8;
	[tilespmem:$0x14700] =	vst v63  }
0x20: {  	p3 =	sne.s32 s18, $0x0;
	_ =	swait.ge @!p0 [sflag:s15], $0x14000  }
.Ltmp1:
0x21: {  	[sflag:s15] =	ssyncset.done @!p0 $0x0;
	(pc) =	sbr.rel @!p3 .LBB2_3-.Ltmp1, $4  }
0x22: {  	[sflag:s15] =	ssyncadd.s32 @!p0 $0xFFFEC000  }
0x23: {  	[hbm4b:s3+s13] =	stream.linear.scatter @!p0 [tilespmem:s17], [sflag:$0x3], $0x14000, $0x38;
	[tilespmem:$0x14700] =	vst v63  }
0x24: {  	_ =	swait.ge @!p0 [sflag:s10], $0x14000  }
0x25: {  	p2 =	por $0x1, $0x1;
	[sflag:s10] =	ssyncset.done @!p0 $0x0  }
.LBB2_2:
0x26: {  	[sflag:s10] =	ssyncadd.s32 @!p0 $0xFFFEC000  }
0x27: {  	[tilespmem:s7], [sflag:$0x3] =	stream.linear.gather @!p1 [hbm4b:s6+s7], $0x80, $0x38;
	[tilespmem:$0x14700] =	vst v63  }
0x28: {  	s18 =	sadd.s32 $0xFFFFFFFF, s18;
	_ =	swait.ge @!p1 [sflag:s8], $0x80  }
0x29: {  	p3 =	sne.s32 s18, $0x0;
	[sflag:s8] =	ssyncset.done @!p1 $0x0  }
0x2a: {  	[sflag:s8] =	ssyncadd.s32 @!p1 $0xFFFFFF80  }
0x2b: {  	[tilespmem:s12], [sflag:$0x1] =	stream.indirect.gather @!p1 [hbm4b:s2+s11], $0x80, s7, s11, $0xb8;
	[tilespmem:$0x14700] =	vst v63  }
0x2c: {  	_ =	swait.ge @!p1 [sflag:s9], $0x400  }
0x2d: {  	[sflag:s9] =	ssyncset.done @!p1 $0x0  }
0x2e: {  	[sflag:s9] =	ssyncadd.s32 @!p1 $0xFFFFFC00  }
0x2f: {  	[hbm4b:s5+s7] =	stream.linear.scatter @!p1 [tilespmem:s12], [sflag:$0x3], $0x400, $0x38;
	[tilespmem:$0x14700] =	vst v63  }
0x30: {  	_ =	swait.ge @!p1 [sflag:s8], $0x400  }
0x31: {  	[sflag:s8] =	ssyncset.done @!p1 $0x0  }
0x32: {  	[sflag:s8] =	ssyncadd.s32 @!p1 $0xFFFFFC00  }
0x33: {  	[tilespmem:s14], [sflag:$0x3] =	stream.linear.gather @!p0 [hbm4b:s4+s13], $0x280, $0x38;
	[tilespmem:$0x14700] =	vst v63  }
0x34: {  	_ =	swait.ge @!p0 [sflag:s10], $0x280  }
0x35: {  	[sflag:s10] =	ssyncset.done @!p0 $0x0  }
0x36: {  	[sflag:s10] =	ssyncadd.s32 @!p0 $0xFFFFFD80  }
0x37: {  	[tilespmem:s17], [sflag:$0x2] =	stream.indirect.gather @!p0 [hbm4b:s2+s16], $0x80, s14, s16, $0xb8;
	[tilespmem:$0x14700] =	vst v63  }
0x38: {  	_ =	swait.ge @!p0 [sflag:s15], $0x14000  }
.Ltmp2:
0x39: {  	[sflag:s15] =	ssyncset.done @!p0 $0x0;
	(pc) =	sbr.rel @p3 .LBB2_2-.Ltmp2, $4  }
0x3a: {  	[sflag:s15] =	ssyncadd.s32 @!p0 $0xFFFEC000  }
0x3b: {  	[hbm4b:s3+s13] =	stream.linear.scatter @!p0 [tilespmem:s17], [sflag:$0x3], $0x14000, $0x38;
	[tilespmem:$0x14700] =	vst v63  }
0x3c: {  	_ =	swait.ge @!p0 [sflag:s10], $0x14000  }
0x3d: {  	[sflag:s10] =	ssyncset.done @!p0 $0x0  }
.LBB2_3:
0x3e: {  	p2 =	por p0, !p2  }
0x3f: {  	s7 =	simm.s32 @!p1 $0x0;
	s8 =	simm.s32 @!p1 $0x3;
	[sflag:s10] =	ssyncadd.s32 @!p2 $0xFFFEC000  }
0x40: {  	[tilespmem:s7], [sflag:$0x3] =	stream.linear.gather @!p1 [hbm4b:s6+s7], $0x80, $0x38;
	[tilespmem:$0x14700] =	vst v63  }
0x41: {  	_ =	swait.ge @!p1 [sflag:s8], $0x80  }
0x42: {  	s9 =	simm.s32 @!p1 $0x8;
	[sflag:s8] =	ssyncset.done @!p1 $0x0  }
0x43: {  	s10 =	simm.s32 @!p1 $0x80;
	s6 =	simm.s32 @!p1 $0x1;
	[sflag:s8] =	ssyncadd.s32 @!p1 $0xFFFFFF80  }
0x44: {  	[tilespmem:s10], [sflag:$0x1] =	stream.indirect.gather @!p1 [hbm4b:s2+s9], $0x80, s7, s9, $0xb8;
	[tilespmem:$0x14700] =	vst v63  }
0x45: {  	_ =	swait.ge @!p1 [sflag:s6], $0x400  }
0x46: {  	[sflag:s6] =	ssyncset.done @!p1 $0x0  }
0x47: {  	[sflag:s6] =	ssyncadd.s32 @!p1 $0xFFFFFC00  }
0x48: {  	[hbm4b:s5+s7] =	stream.linear.scatter @!p1 [tilespmem:s10], [sflag:$0x3], $0x400, $0x38;
	[tilespmem:$0x14700] =	vst v63  }
0x49: {  	_ =	swait.ge @!p1 [sflag:s8], $0x400  }
0x4a: {  	s6 =	simm.s32 @!p0 $0x0;
	[sflag:s8] =	ssyncset.done @!p1 $0x0  }
0x4b: {  	s5 =	simm.s32 @!p0 $0x3;
	s7 =	simm.s32 @!p0 $0x480;
	[sflag:s8] =	ssyncadd.s32 @!p1 $0xFFFFFC00  }
0x4c: {  	[tilespmem:s7], [sflag:$0x3] =	stream.linear.gather @!p0 [hbm4b:s4+s6], $0x280, $0x38;
	[tilespmem:$0x14700] =	vst v63  }
0x4d: {  	_ =	swait.ge @!p0 [sflag:s5], $0x280  }
0x4e: {  	s9 =	simm.s32 @!p0 $0x700;
	[sflag:s5] =	ssyncset.done @!p0 $0x0  }
0x4f: {  	s8 =	simm.s32 @!p0 $0x280;
	s4 =	simm.s32 @!p0 $0x2;
	[sflag:s5] =	ssyncadd.s32 @!p0 $0xFFFFFD80  }
0x50: {  	[tilespmem:s9], [sflag:$0x2] =	stream.indirect.gather @!p0 [hbm4b:s2+s8], $0x80, s7, s8, $0xb8;
	[tilespmem:$0x14700] =	vst v63  }
0x51: {  	_ =	swait.ge @!p0 [sflag:s4], $0x14000  }
0x52: {  	[sflag:s4] =	ssyncset.done @!p0 $0x0  }
0x53: {  	[sflag:s4] =	ssyncadd.s32 @!p0 $0xFFFEC000  }
0x54: {  	[hbm4b:s3+s6] =	stream.linear.scatter @!p0 [tilespmem:s9], [sflag:$0x3], $0x14000, $0x38;
	[tilespmem:$0x14700] =	vst v63  }
0x55: {  	_ =	swait.ge @!p0 [sflag:s5], $0x14000  }
0x56: {  	[sflag:s5] =	ssyncset.done @!p0 $0x0  }
0x57: {  	[sflag:s5] =	ssyncadd.s32 @!p0 $0xFFFEC000  }
0x58: {  	_ =	sfence.sel $0x180000  }
0x59: {  	[bflag:$0x0] =	sbarrier.arrive $0xFFFF  }
0x5a: {  	p0 =	sne.s32 s0, $0x0;
	_ =	strace $0x90000047  }
0x5b: {  	s0 =	sadd.s32 @!p0 $0x100000, s1;
	[bflag:$0x2] =	sbarrier.arrive $0xFFFF  }
0x5c: {  	[sflag:s0] =	ssyncadd.tile.s32 @!p0 $0x1;
	_ =	shalt  }
.Lfunc_end2:
_tile_overlayer_lowered:
.L_overlay_start_2:
0x5d: {  	(tag) =	ssettag $0x2  }
0x5e: {  	s0 =	rddreg [dreg:$0x0];
	s2 =	stileid.u32  }
0x5f: {  	s1 =	rddreg [dreg:$0x1];
	p0 =	sne.s32 s2, $0x0  }
0x60: {  	s3 =	rddreg [dreg:$0x2];
	[bflag:$0x3] =	sbarrier.arrive $0xFFFF;
	s2 =	simm.s32 @!p0 $0x1C03  }
0x61: {  	[timem:s3], [sflag:s2] =	dma.local @!p0 [hbm:s0], s1  }
0x62: {  	s0 =	simm.s32 @!p0 $0x3  }
0x63: {  	_ =	swait.ge @!p0 [sflag:s0], s1  }
0x64: {  	s1 =	ssub.s32 @!p0 $0x0, s1;
	[sflag:s0] =	ssyncset.done @!p0 $0x0  }
0x65: {  	[sflag:s0] =	ssyncadd.s32 @!p0 s1  }
0x66: {  	[bflag:$0x3] =	sbarrier.arrive $0xFFFF  }
0x67: {  	_ =	shalt  }

</sc_bundles>
